<compile_context>
chip_gen: v7x
topology: tpu7x:2x2x1
jax: 0.10.2.dev20260603
libtpu: 0.0.44.dev20260713+nightly
codegen_flags: <defaults>
</compile_context>

<pallas_src>
import functools

import jax
import jax.numpy as jnp
from jax import lax
from jax.experimental import pallas as pl
from jax.experimental.pallas import tpu as pltpu
from jax.experimental.pallas import tpu_sc as plsc

B = 128
V = 100000
NC = 2
NS = 16
L = 16
NW = NC * NS
SCROWS = 64
RPW = SCROWS // NW
H0 = 49920
H1 = V - H0
STEPS = RPW * 2
U = 5

RB = 8
TCR = B - SCROWS

_LN2 = 0.6931471805599453
_SQRT2 = 1.4142135623730951
_IMAX = 2**31 - 1


def _ln(x):
    bits = plsc.bitcast(x, jnp.int32)
    e = lax.shift_right_arithmetic(bits, 23) - 127
    mbits = lax.bitwise_or(lax.bitwise_and(bits, 0x7FFFFF), 0x3F800000)
    m = plsc.bitcast(mbits, jnp.float32)
    big = m > _SQRT2
    m = jnp.where(big, m * 0.5, m)
    e = jnp.where(big, e + 1, e)
    t = (m - 1.0) / (m + 1.0)
    t2 = t * t
    p = jnp.float32(1.0 / 9.0)
    p = p * t2 + jnp.float32(1.0 / 7.0)
    p = p * t2 + jnp.float32(1.0 / 5.0)
    p = p * t2 + jnp.float32(1.0 / 3.0)
    p = p * t2 + 1.0
    return e.astype(jnp.float32) * _LN2 + 2.0 * t * p


_mesh = plsc.VectorSubcoreMesh(
    core_axis_name="c", subcore_axis_name="s", num_cores=NC, num_subcores=NS
)


@functools.partial(
    pl.kernel,
    out_type=(
        jax.ShapeDtypeStruct((NW, L), jnp.float32),
        jax.ShapeDtypeStruct((NW, L), jnp.int32),
    ),
    mesh=_mesh,
    compiler_params=pltpu.CompilerParams(
        needs_layout_passes=False
    ),
    scratch_types=[
        pltpu.VMEM((H1,), jnp.float32),
        pltpu.VMEM((H1,), jnp.float32),
        pltpu.VMEM((B,), jnp.int32),
        pltpu.VMEM((L,), jnp.float32),
        pltpu.VMEM((L,), jnp.int32),
        pltpu.SemaphoreType.DMA,
        pltpu.SemaphoreType.DMA,
    ],
)
def _sc_kern(logits_hbm, act_hbm, lp_hbm, mode_hbm, buf0, buf1, act_v, lp_v, mode_v, sem0, sem1):
    bufs = [buf0, buf1]
    sems = [sem0, sem1]

    cid = lax.axis_index("c")
    sid = lax.axis_index("s")
    wid = sid * NC + cid
    lanes = lax.iota(jnp.int32, L)

    pltpu.sync_copy(act_hbm, act_v)

    def issue(step):
        j, half = step // 2, step % 2
        r = wid * RPW + j
        off, ln = (0, H0) if half == 0 else (H0, H1)
        return pltpu.async_copy(
            logits_hbm.at[r, pl.ds(off, ln)],
            bufs[step % 2].at[pl.ds(0, ln)],
            sems[step % 2],
        )

    copies = {0: issue(0)}

    lp_acc = jnp.zeros((L,), jnp.float32)
    mode_acc = jnp.zeros((L,), jnp.int32)
    last = jnp.full((L,), L - 1, jnp.int32)
    imax_b = jnp.full((L,), _IMAX, jnp.int32)

    ms = mis = ss = aj_b = g16 = None
    for step in range(STEPS):
        j, half = step // 2, step % 2
        r = wid * RPW + j
        if half == 0:
            aj_b = plsc.load_gather(act_v, [jnp.full((L,), r, jnp.int32)])
            g16 = jnp.zeros((L,), jnp.float32)
            ms = [jnp.full((L,), -jnp.inf, jnp.float32) for _ in range(U)]
            mis = [jnp.zeros((L,), jnp.int32) for _ in range(U)]
            ss = [jnp.zeros((L,), jnp.float32) for _ in range(U)]

        if step + 1 < STEPS:
            copies[step + 1] = issue(step + 1)
        copies[step].wait()
        buf = bufs[step % 2]
        sbase = 0 if half == 0 else H0
        ln = H0 if half == 0 else H1
        iters = ln // L // U

        arel = aj_b - sbase
        in_slice = (arel >= 0) & (arel < ln)
        arel_c = jnp.maximum(0, jnp.minimum(arel, ln - 1))
        picked = plsc.load_gather(buf, [arel_c])
        g16 = jnp.where(in_slice, picked, g16)

        def body(k, carry, buf=buf, sbase=sbase):
            cms, cmis, css = carry
            cms, cmis, css = list(cms), list(cmis), list(css)
            base = k * (L * U)
            kb = jnp.full((L,), sbase // (L * U) + k, jnp.int32)
            for u in range(U):
                v = buf[pl.ds(base + u * L, L)]
                cond = v > cms[u]
                cms[u] = jnp.maximum(cms[u], v)
                cmis[u] = jnp.where(cond, kb, cmis[u])
                css[u] = css[u] + jnp.exp(v)
            return tuple(cms), tuple(cmis), tuple(css)

        res = lax.fori_loop(0, iters, body, (tuple(ms), tuple(mis), tuple(ss)))
        ms, mis, ss = list(res[0]), list(res[1]), list(res[2])

        if half == 1:
            m_comb = ms[0]
            for u in range(1, U):
                m_comb = jnp.maximum(m_comb, ms[u])
            cand = imax_b
            for u in range(U):
                idx_u = (mis[u] * U + u) * L + lanes
                cand = jnp.minimum(cand, jnp.where(ms[u] == m_comb, idx_u, imax_b))
            s_tot = ss[0]
            for u in range(1, U):
                s_tot = s_tot + ss[u]

            lp_v[...] = plsc.cummax(m_comb)
            gmax_b = plsc.load_gather(lp_v, [last])
            cand = jnp.where(m_comb == gmax_b, cand, imax_b)
            mode_v[...] = plsc.cummax(-cand)
            gmi_b = -plsc.load_gather(mode_v, [last])
            lp_v[...] = plsc.cumsum(s_tot)
            ssum_b = plsc.load_gather(lp_v, [last])

            lp_vec = g16 - _ln(ssum_b)

            sel = lanes == j
            lp_acc = jnp.where(sel, lp_vec, lp_acc)
            mode_acc = jnp.where(sel, gmi_b, mode_acc)

    lp_v[...] = lp_acc
    mode_v[...] = mode_acc
    pltpu.sync_copy(lp_v, lp_hbm.at[wid])
    pltpu.sync_copy(mode_v, mode_hbm.at[wid])


def _tc_body(act_ref, logits_ref, lp_ref, mode_ref):
    v = logits_ref[...]
    cols = lax.broadcasted_iota(jnp.int32, (RB, V), 1)
    s = jnp.sum(jnp.exp(v), axis=1, keepdims=True)
    m = jnp.max(v, axis=1, keepdims=True)
    mi = jnp.min(jnp.where(v == m, cols, _IMAX), axis=1, keepdims=True)
    a = act_ref[...]
    g = jnp.sum(jnp.where(cols == a, v, 0.0), axis=1, keepdims=True)
    lp_ref[...] = g - jnp.log(s)
    mode_ref[...] = mi


_tc_kern = pl.pallas_call(
    _tc_body,
    grid=(TCR // RB,),
    in_specs=[
        pl.BlockSpec((RB, 1), lambda i: (i + SCROWS // RB, 0)),
        pl.BlockSpec((RB, V), lambda i: (i + SCROWS // RB, 0)),
    ],
    out_specs=[
        pl.BlockSpec((RB, 1), lambda i: (i, 0)),
        pl.BlockSpec((RB, 1), lambda i: (i, 0)),
    ],
    out_shape=(
        jax.ShapeDtypeStruct((TCR, 1), jnp.float32),
        jax.ShapeDtypeStruct((TCR, 1), jnp.int32),
    ),
    compiler_params=pltpu.CompilerParams(dimension_semantics=("arbitrary",)),
)


def kernel(logits, actions):
    acts = actions.reshape(-1).astype(jnp.int32)
    lp_w, mode_w = _sc_kern(logits, acts)
    lp_tc, mode_tc = _tc_kern(acts[:, None], logits)
    lp = jnp.concatenate([lp_w[:, :RPW].reshape(SCROWS, 1), lp_tc], axis=0)
    mode = jnp.concatenate(
        [mode_w[:, :RPW].reshape(SCROWS, 1), mode_tc], axis=0
    )
    return lp, mode

# --- scband reference (transcript-rebuilt; emitter-appended) ---
"""Pipeline reference for scband-fixed-categorical-12558484374187 (READ-ONLY COPY).

The authoritative reference and input builder live on the scoring server;
editing this copy changes nothing except your own understanding.
"""

import jax, jax.numpy as jnp
import numpy as np

B = 128
VOCAB = 100000

def setup_inputs(seed: int = 0) -> dict:
    key = jax.random.key(seed)
    k1, k2 = jax.random.split(key)
    logits = jax.random.normal(k1, (B, VOCAB), dtype=jnp.float32)
    actions = jax.random.randint(k2, (B, 1), 0, VOCAB).astype(jnp.int64)
    return {"logits": logits, "actions": actions}

def reference(logits, actions):
    # FixedCategorical(logits=logits)
    # log_probs(actions): Categorical.log_prob(actions.squeeze(-1)).view(B,-1).sum(-1).unsqueeze(-1)
    log_p = jax.nn.log_softmax(logits, axis=-1)          # normalized log probabilities
    lp = jnp.take_along_axis(log_p, actions, axis=-1)    # [B, 1] gather at action ids
    lp = lp.reshape(actions.shape[0], -1).sum(axis=-1)[:, None]  # [B, 1]
    # mode: probs.argmax(dim=-1, keepdim=True)
    mode = jnp.argmax(log_p, axis=-1, keepdims=True)     # argmax of probs == argmax of log-probs
    return lp, mode

if __name__ == "__main__":
    import jax
    _d = setup_inputs()
    print(jax.jit(kernel)(*tuple(_d.values())))

</pallas_src>

<mosaic_0001>
#map = affine_map<(d0, d1) -> (0, 0)>
#map1 = affine_map<(d0, d1) -> (0)>
module attributes {stable_mosaic.version = 14 : i64} {
  func.func @_sc_kern(%arg0: i32, %arg1: i32, %arg2: memref<128x100000xf32, #tpu.memory_space<hbm>>, %arg3: memref<128xi32, #tpu.memory_space<hbm>>, %arg4: memref<32x16xf32, #tpu.memory_space<hbm>>, %arg5: memref<32x16xi32, #tpu.memory_space<hbm>>, %arg6: memref<50080xf32, #tpu.memory_space<vmem>>, %arg7: memref<50080xf32, #tpu.memory_space<vmem>>, %arg8: memref<128xi32, #tpu.memory_space<vmem>>, %arg9: memref<16xf32, #tpu.memory_space<vmem>>, %arg10: memref<16xi32, #tpu.memory_space<vmem>>, %arg11: memref<!tpu.dma_semaphore, #tpu.memory_space<semaphore_mem>>, %arg12: memref<!tpu.dma_semaphore, #tpu.memory_space<semaphore_mem>>) attributes {dimension_semantics = [#tpu.dimension_semantics<core_parallel>, #tpu.dimension_semantics<subcore_parallel>], iteration_bounds = array<i64: 2, 16>, scalar_prefetch = 0 : i64, scratch_operands = 7 : i64, tpu.core_type = #tpu.core_type<sc_vector_subcore>, window_params = [{transform_indices = #map}, {transform_indices = #map1}, {transform_indices = #map}, {transform_indices = #map}]} {
    %mul3A = arith.constant 2 : i32
    %mul3A_0 = arith.muli %arg1, %mul3A : i32
    %add3A = arith.addi %mul3A_0, %arg0 : i32
    %iota3A = tpu.iota {dimensions = array<i32: 0>} : vector<16xi32>
    "tpu.region"() ({
      %run_scoped3A = tpu.sem_alloc : memref<!tpu.dma_semaphore, #tpu.memory_space<semaphore_mem>>
      tpu.enqueue_dma source(%arg3 : memref<128xi32, #tpu.memory_space<hbm>>) target(%arg8 : memref<128xi32, #tpu.memory_space<vmem>>) target_semaphore(%run_scoped3A : memref<!tpu.dma_semaphore, #tpu.memory_space<semaphore_mem>>)
      tpu.wait_dma2 semaphore(%run_scoped3A : memref<!tpu.dma_semaphore, #tpu.memory_space<semaphore_mem>>) src(%arg3 : memref<128xi32, #tpu.memory_space<hbm>>) dst(%arg8 : memref<128xi32, #tpu.memory_space<vmem>>)
      tpu.yield
    }) : () -> ()
    %mul3A_1 = arith.constant 2 : i32
    %mul3A_2 = arith.muli %add3A, %mul3A_1 : i32
    %add3A_3 = arith.constant 0 : i32
    %add3A_4 = arith.addi %mul3A_2, %add3A_3 : i32
    %dma_start3A = arith.constant 0 : i32
    %dma_start3A_5 = tpu.memref_slice %arg6[%dma_start3A] : memref<50080xf32, #tpu.memory_space<vmem>> -> memref<49920xf32, #tpu.memory_space<vmem>>
    %dma_start3A_6 = arith.constant 0 : i32
    %dma_start3A_7 = tpu.memref_slice %arg2[%add3A_4, %dma_start3A_6] : memref<128x100000xf32, #tpu.memory_space<hbm>> -> memref<1x49920xf32, #tpu.memory_space<hbm>>
    %dma_start3A_8 = tpu.memref_squeeze %dma_start3A_7 : memref<1x49920xf32, #tpu.memory_space<hbm>> -> memref<49920xf32, #tpu.memory_space<hbm>>
    %dma_start3A_9 = arith.constant 0 : i32
    %dma_start3A_10 = tpu.memref_slice %arg6[%dma_start3A_9] : memref<50080xf32, #tpu.memory_space<vmem>> -> memref<49920xf32, #tpu.memory_space<vmem>>
    %dma_start3A_11 = arith.constant 0 : i32
    %dma_start3A_12 = tpu.memref_slice %arg2[%add3A_4, %dma_start3A_11] : memref<128x100000xf32, #tpu.memory_space<hbm>> -> memref<1x49920xf32, #tpu.memory_space<hbm>>
    %dma_start3A_13 = tpu.memref_squeeze %dma_start3A_12 : memref<1x49920xf32, #tpu.memory_space<hbm>> -> memref<49920xf32, #tpu.memory_space<hbm>>
    tpu.enqueue_dma source(%dma_start3A_13 : memref<49920xf32, #tpu.memory_space<hbm>>) target(%dma_start3A_10 : memref<49920xf32, #tpu.memory_space<vmem>>) target_semaphore(%arg11 : memref<!tpu.dma_semaphore, #tpu.memory_space<semaphore_mem>>)
    %broadcast_in_dim3A = arith.constant 0.000000e+00 : f32
    %broadcast_in_dim3A_14 = vector.broadcast %broadcast_in_dim3A : f32 to vector<16xf32>
    %broadcast_in_dim3A_15 = arith.constant 0 : i32
    %broadcast_in_dim3A_16 = vector.broadcast %broadcast_in_dim3A_15 : i32 to vector<16xi32>
    %broadcast_in_dim3A_17 = arith.constant 15 : i32
    %broadcast_in_dim3A_18 = vector.broadcast %broadcast_in_dim3A_17 : i32 to vector<16xi32>
    %broadcast_in_dim3A_19 = arith.constant 2147483647 : i32
    %broadcast_in_dim3A_20 = vector.broadcast %broadcast_in_dim3A_19 : i32 to vector<16xi32>
    %mul3A_21 = arith.constant 2 : i32
    %mul3A_22 = arith.muli %add3A, %mul3A_21 : i32
    %add3A_23 = arith.constant 0 : i32
    %add3A_24 = arith.addi %mul3A_22, %add3A_23 : i32
    %broadcast_in_dim3A_25 = vector.broadcast %add3A_24 : i32 to vector<16xi32>
    %gather3A = tpu.vector_load_idx %arg8[%broadcast_in_dim3A_25] : memref<128xi32, #tpu.memory_space<vmem>>[vector<16xi32>], vector<16xi32>,
    %broadcast_in_dim3A_26 = arith.constant 0.000000e+00 : f32
    %broadcast_in_dim3A_27 = vector.broadcast %broadcast_in_dim3A_26 : f32 to vector<16xf32>
    %broadcast_in_dim3A_28 = arith.constant 0xFF800000 : f32
    %broadcast_in_dim3A_29 = vector.broadcast %broadcast_in_dim3A_28 : f32 to vector<16xf32>
    %broadcast_in_dim3A_30 = arith.constant 0xFF800000 : f32
    %broadcast_in_dim3A_31 = vector.broadcast %broadcast_in_dim3A_30 : f32 to vector<16xf32>
    %broadcast_in_dim3A_32 = arith.constant 0xFF800000 : f32
    %broadcast_in_dim3A_33 = vector.broadcast %broadcast_in_dim3A_32 : f32 to vector<16xf32>
    %broadcast_in_dim3A_34 = arith.constant 0xFF800000 : f32
    %broadcast_in_dim3A_35 = vector.broadcast %broadcast_in_dim3A_34 : f32 to vector<16xf32>
    %broadcast_in_dim3A_36 = arith.constant 0xFF800000 : f32
    %broadcast_in_dim3A_37 = vector.broadcast %broadcast_in_dim3A_36 : f32 to vector<16xf32>
    %broadcast_in_dim3A_38 = arith.constant 0 : i32
    %broadcast_in_dim3A_39 = vector.broadcast %broadcast_in_dim3A_38 : i32 to vector<16xi32>
    %broadcast_in_dim3A_40 = arith.constant 0 : i32
    %broadcast_in_dim3A_41 = vector.broadcast %broadcast_in_dim3A_40 : i32 to vector<16xi32>
    %broadcast_in_dim3A_42 = arith.constant 0 : i32
    %broadcast_in_dim3A_43 = vector.broadcast %broadcast_in_dim3A_42 : i32 to vector<16xi32>
    %broadcast_in_dim3A_44 = arith.constant 0 : i32
    %broadcast_in_dim3A_45 = vector.broadcast %broadcast_in_dim3A_44 : i32 to vector<16xi32>
    %broadcast_in_dim3A_46 = arith.constant 0 : i32
    %broadcast_in_dim3A_47 = vector.broadcast %broadcast_in_dim3A_46 : i32 to vector<16xi32>
    %broadcast_in_dim3A_48 = arith.constant 0.000000e+00 : f32
    %broadcast_in_dim3A_49 = vector.broadcast %broadcast_in_dim3A_48 : f32 to vector<16xf32>
    %broadcast_in_dim3A_50 = arith.constant 0.000000e+00 : f32
    %broadcast_in_dim3A_51 = vector.broadcast %broadcast_in_dim3A_50 : f32 to vector<16xf32>
    %broadcast_in_dim3A_52 = arith.constant 0.000000e+00 : f32
    %broadcast_in_dim3A_53 = vector.broadcast %broadcast_in_dim3A_52 : f32 to vector<16xf32>
    %broadcast_in_dim3A_54 = arith.constant 0.000000e+00 : f32
    %broadcast_in_dim3A_55 = vector.broadcast %broadcast_in_dim3A_54 : f32 to vector<16xf32>
    %broadcast_in_dim3A_56 = arith.constant 0.000000e+00 : f32
    %broadcast_in_dim3A_57 = vector.broadcast %broadcast_in_dim3A_56 : f32 to vector<16xf32>
    %mul3A_58 = arith.constant 2 : i32
    %mul3A_59 = arith.muli %add3A, %mul3A_58 : i32
    %add3A_60 = arith.constant 0 : i32
    %add3A_61 = arith.addi %mul3A_59, %add3A_60 : i32
    %dma_start3A_62 = arith.constant 0 : i32
    %dma_start3A_63 = tpu.memref_slice %arg7[%dma_start3A_62] : memref<50080xf32, #tpu.memory_space<vmem>> -> memref<50080xf32, #tpu.memory_space<vmem>>
    %dma_start3A_64 = arith.constant 49920 : i32
    %dma_start3A_65 = tpu.memref_slice %arg2[%add3A_61, %dma_start3A_64] : memref<128x100000xf32, #tpu.memory_space<hbm>> -> memref<1x50080xf32, #tpu.memory_space<hbm>>
    %dma_start3A_66 = tpu.memref_squeeze %dma_start3A_65 : memref<1x50080xf32, #tpu.memory_space<hbm>> -> memref<50080xf32, #tpu.memory_space<hbm>>
    %dma_start3A_67 = arith.constant 0 : i32
    %dma_start3A_68 = tpu.memref_slice %arg7[%dma_start3A_67] : memref<50080xf32, #tpu.memory_space<vmem>> -> memref<50080xf32, #tpu.memory_space<vmem>>
    %dma_start3A_69 = arith.constant 49920 : i32
    %dma_start3A_70 = tpu.memref_slice %arg2[%add3A_61, %dma_start3A_69] : memref<128x100000xf32, #tpu.memory_space<hbm>> -> memref<1x50080xf32, #tpu.memory_space<hbm>>
    %dma_start3A_71 = tpu.memref_squeeze %dma_start3A_70 : memref<1x50080xf32, #tpu.memory_space<hbm>> -> memref<50080xf32, #tpu.memory_space<hbm>>
    tpu.enqueue_dma source(%dma_start3A_71 : memref<50080xf32, #tpu.memory_space<hbm>>) target(%dma_start3A_68 : memref<50080xf32, #tpu.memory_space<vmem>>) target_semaphore(%arg12 : memref<!tpu.dma_semaphore, #tpu.memory_space<semaphore_mem>>)
    %dma_wait3A = arith.constant 0 : i32
    %dma_wait3A_72 = tpu.memref_slice %arg6[%dma_wait3A] : memref<50080xf32, #tpu.memory_space<vmem>> -> memref<49920xf32, #tpu.memory_space<vmem>>
    %dma_wait3A_73 = arith.constant 0 : i32
    %dma_wait3A_74 = tpu.memref_slice %arg2[%add3A_4, %dma_wait3A_73] : memref<128x100000xf32, #tpu.memory_space<hbm>> -> memref<1x49920xf32, #tpu.memory_space<hbm>>
    %dma_wait3A_75 = tpu.memref_squeeze %dma_wait3A_74 : memref<1x49920xf32, #tpu.memory_space<hbm>> -> memref<49920xf32, #tpu.memory_space<hbm>>
    %dma_wait3A_76 = arith.constant 0 : i32
    %dma_wait3A_77 = tpu.memref_slice %arg6[%dma_wait3A_76] : memref<50080xf32, #tpu.memory_space<vmem>> -> memref<49920xf32, #tpu.memory_space<vmem>>
    %dma_wait3A_78 = arith.constant 0 : i32
    %dma_wait3A_79 = tpu.memref_slice %arg2[%add3A_4, %dma_wait3A_78] : memref<128x100000xf32, #tpu.memory_space<hbm>> -> memref<1x49920xf32, #tpu.memory_space<hbm>>
    %dma_wait3A_80 = tpu.memref_squeeze %dma_wait3A_79 : memref<1x49920xf32, #tpu.memory_space<hbm>> -> memref<49920xf32, #tpu.memory_space<hbm>>
    tpu.wait_dma2 semaphore(%arg11 : memref<!tpu.dma_semaphore, #tpu.memory_space<semaphore_mem>>) src(%dma_wait3A_80 : memref<49920xf32, #tpu.memory_space<hbm>>) dst(%dma_wait3A_77 : memref<49920xf32, #tpu.memory_space<vmem>>)
    %sub3A = arith.constant 0 : i32
    %sub3A_81 = vector.broadcast %sub3A : i32 to vector<16xi32>
    %sub3A_82 = arith.subi %gather3A, %sub3A_81 : vector<16xi32>
    %ge3A = arith.constant 0 : i32
    %ge3A_83 = vector.broadcast %ge3A : i32 to vector<16xi32>
    %ge3A_84 = arith.cmpi sge, %sub3A_82, %ge3A_83 : vector<16xi32>
    %lt3A = arith.constant 49920 : i32
    %lt3A_85 = vector.broadcast %lt3A : i32 to vector<16xi32>
    %lt3A_86 = arith.cmpi slt, %sub3A_82, %lt3A_85 : vector<16xi32>
    %and3A = arith.andi %ge3A_84, %lt3A_86 : vector<16xi1>
    %min3A = arith.constant 49919 : i32
    %min3A_87 = vector.broadcast %min3A : i32 to vector<16xi32>
    %min3A_88 = arith.minsi %sub3A_82, %min3A_87 : vector<16xi32>
    %max3A = arith.constant 0 : i32
    %max3A_89 = vector.broadcast %max3A : i32 to vector<16xi32>
    %max3A_90 = arith.maxsi %max3A_89, %min3A_88 : vector<16xi32>
    %gather3A_91 = tpu.vector_load_idx %arg6[%max3A_90] : memref<50080xf32, #tpu.memory_space<vmem>>[vector<16xi32>], vector<16xf32>,
    %select_n3A = arith.select %and3A, %gather3A_91, %broadcast_in_dim3A_27 : vector<16xi1>, vector<16xf32>
    %scan3A = arith.constant 0 : i32
    %scan3A_92 = arith.constant 624 : i32
    %scan3A_93 = arith.addi %scan3A, %scan3A_92 : i32
    %scan3A_94 = arith.constant 1 : i32
    %scan3A_95:15 = scf.for %scan3A_604 = %scan3A to %scan3A_93 step %scan3A_94 iter_args(%scan3A_605 = %broadcast_in_dim3A_29, %scan3A_606 = %broadcast_in_dim3A_31, %scan3A_607 = %broadcast_in_dim3A_33, %scan3A_608 = %broadcast_in_dim3A_35, %scan3A_609 = %broadcast_in_dim3A_37, %scan3A_610 = %broadcast_in_dim3A_39, %scan3A_611 = %broadcast_in_dim3A_41, %scan3A_612 = %broadcast_in_dim3A_43, %scan3A_613 = %broadcast_in_dim3A_45, %scan3A_614 = %broadcast_in_dim3A_47, %scan3A_615 = %broadcast_in_dim3A_49, %scan3A_616 = %broadcast_in_dim3A_51, %scan3A_617 = %broadcast_in_dim3A_53, %scan3A_618 = %broadcast_in_dim3A_55, %scan3A_619 = %broadcast_in_dim3A_57) -> (vector<16xf32>, vector<16xf32>, vector<16xf32>, vector<16xf32>, vector<16xf32>, vector<16xi32>, vector<16xi32>, vector<16xi32>, vector<16xi32>, vector<16xi32>, vector<16xf32>, vector<16xf32>, vector<16xf32>, vector<16xf32>, vector<16xf32>)  : i32 {
      %mul3A_620 = arith.constant 80 : i32
      %mul3A_621 = arith.muli %scan3A_604, %mul3A_620 : i32
      %add3A_622 = arith.constant 0 : i32
      %add3A_623 = arith.addi %add3A_622, %scan3A_604 : i32
      %broadcast_in_dim3A_624 = vector.broadcast %add3A_623 : i32 to vector<16xi32>
      %add3A_625 = arith.constant 0 : i32
      %add3A_626 = arith.addi %mul3A_621, %add3A_625 : i32
      %get3A = arith.index_cast %add3A_626 : i32 to index
      %get3A_627 = tpu.vector_load %arg6[%get3A] {strides = array<i32>} : memref<50080xf32, #tpu.memory_space<vmem>>, vector<16xf32>,
      %gt3A_628 = arith.cmpf ogt, %get3A_627, %scan3A_605 : vector<16xf32>
      %max3A_629 = arith.maximumf %scan3A_605, %get3A_627 : vector<16xf32>
      %select_n3A_630 = arith.select %gt3A_628, %broadcast_in_dim3A_624, %scan3A_610 : vector<16xi1>, vector<16xi32>
      %exp3A = math.exp %get3A_627 : vector<16xf32>
      %add3A_631 = arith.addf %scan3A_615, %exp3A : vector<16xf32>
      %add3A_632 = arith.constant 16 : i32
      %add3A_633 = arith.addi %mul3A_621, %add3A_632 : i32
      %get3A_634 = arith.index_cast %add3A_633 : i32 to index
      %get3A_635 = tpu.vector_load %arg6[%get3A_634] {strides = array<i32>} : memref<50080xf32, #tpu.memory_space<vmem>>, vector<16xf32>,
      %gt3A_636 = arith.cmpf ogt, %get3A_635, %scan3A_606 : vector<16xf32>
      %max3A_637 = arith.maximumf %scan3A_606, %get3A_635 : vector<16xf32>
      %select_n3A_638 = arith.select %gt3A_636, %broadcast_in_dim3A_624, %scan3A_611 : vector<16xi1>, vector<16xi32>
      %exp3A_639 = math.exp %get3A_635 : vector<16xf32>
      %add3A_640 = arith.addf %scan3A_616, %exp3A_639 : vector<16xf32>
      %add3A_641 = arith.constant 32 : i32
      %add3A_642 = arith.addi %mul3A_621, %add3A_641 : i32
      %get3A_643 = arith.index_cast %add3A_642 : i32 to index
      %get3A_644 = tpu.vector_load %arg6[%get3A_643] {strides = array<i32>} : memref<50080xf32, #tpu.memory_space<vmem>>, vector<16xf32>,
      %gt3A_645 = arith.cmpf ogt, %get3A_644, %scan3A_607 : vector<16xf32>
      %max3A_646 = arith.maximumf %scan3A_607, %get3A_644 : vector<16xf32>
      %select_n3A_647 = arith.select %gt3A_645, %broadcast_in_dim3A_624, %scan3A_612 : vector<16xi1>, vector<16xi32>
      %exp3A_648 = math.exp %get3A_644 : vector<16xf32>
      %add3A_649 = arith.addf %scan3A_617, %exp3A_648 : vector<16xf32>
      %add3A_650 = arith.constant 48 : i32
      %add3A_651 = arith.addi %mul3A_621, %add3A_650 : i32
      %get3A_652 = arith.index_cast %add3A_651 : i32 to index
      %get3A_653 = tpu.vector_load %arg6[%get3A_652] {strides = array<i32>} : memref<50080xf32, #tpu.memory_space<vmem>>, vector<16xf32>,
      %gt3A_654 = arith.cmpf ogt, %get3A_653, %scan3A_608 : vector<16xf32>
      %max3A_655 = arith.maximumf %scan3A_608, %get3A_653 : vector<16xf32>
      %select_n3A_656 = arith.select %gt3A_654, %broadcast_in_dim3A_624, %scan3A_613 : vector<16xi1>, vector<16xi32>
      %exp3A_657 = math.exp %get3A_653 : vector<16xf32>
      %add3A_658 = arith.addf %scan3A_618, %exp3A_657 : vector<16xf32>
      %add3A_659 = arith.constant 64 : i32
      %add3A_660 = arith.addi %mul3A_621, %add3A_659 : i32
      %get3A_661 = arith.index_cast %add3A_660 : i32 to index
      %get3A_662 = tpu.vector_load %arg6[%get3A_661] {strides = array<i32>} : memref<50080xf32, #tpu.memory_space<vmem>>, vector<16xf32>,
      %gt3A_663 = arith.cmpf ogt, %get3A_662, %scan3A_609 : vector<16xf32>
      %max3A_664 = arith.maximumf %scan3A_609, %get3A_662 : vector<16xf32>
      %select_n3A_665 = arith.select %gt3A_663, %broadcast_in_dim3A_624, %scan3A_614 : vector<16xi1>, vector<16xi32>
      %exp3A_666 = math.exp %get3A_662 : vector<16xf32>
      %add3A_667 = arith.addf %scan3A_619, %exp3A_666 : vector<16xf32>
      scf.yield %max3A_629, %max3A_637, %max3A_646, %max3A_655, %max3A_664, %select_n3A_630, %select_n3A_638, %select_n3A_647, %select_n3A_656, %select_n3A_665, %add3A_631, %add3A_640, %add3A_649, %add3A_658, %add3A_667 : vector<16xf32>, vector<16xf32>, vector<16xf32>, vector<16xf32>, vector<16xf32>, vector<16xi32>, vector<16xi32>, vector<16xi32>, vector<16xi32>, vector<16xi32>, vector<16xf32>, vector<16xf32>, vector<16xf32>, vector<16xf32>, vector<16xf32>
    }
    %scan3A_96 = arith.constant 624 : i32
    %mul3A_97 = arith.constant 2 : i32
    %mul3A_98 = arith.muli %add3A, %mul3A_97 : i32
    %add3A_99 = arith.constant 0 : i32
    %add3A_100 = arith.addi %mul3A_98, %add3A_99 : i32
    %mul3A_101 = arith.constant 2 : i32
    %mul3A_102 = arith.muli %add3A, %mul3A_101 : i32
    %add3A_103 = arith.constant 1 : i32
    %add3A_104 = arith.addi %mul3A_102, %add3A_103 : i32
    %dma_start3A_105 = arith.constant 0 : i32
    %dma_start3A_106 = tpu.memref_slice %arg6[%dma_start3A_105] : memref<50080xf32, #tpu.memory_space<vmem>> -> memref<49920xf32, #tpu.memory_space<vmem>>
    %dma_start3A_107 = arith.constant 0 : i32
    %dma_start3A_108 = tpu.memref_slice %arg2[%add3A_104, %dma_start3A_107] : memref<128x100000xf32, #tpu.memory_space<hbm>> -> memref<1x49920xf32, #tpu.memory_space<hbm>>
    %dma_start3A_109 = tpu.memref_squeeze %dma_start3A_108 : memref<1x49920xf32, #tpu.memory_space<hbm>> -> memref<49920xf32, #tpu.memory_space<hbm>>
    %dma_start3A_110 = arith.constant 0 : i32
    %dma_start3A_111 = tpu.memref_slice %arg6[%dma_start3A_110] : memref<50080xf32, #tpu.memory_space<vmem>> -> memref<49920xf32, #tpu.memory_space<vmem>>
    %dma_start3A_112 = arith.constant 0 : i32
    %dma_start3A_113 = tpu.memref_slice %arg2[%add3A_104, %dma_start3A_112] : memref<128x100000xf32, #tpu.memory_space<hbm>> -> memref<1x49920xf32, #tpu.memory_space<hbm>>
    %dma_start3A_114 = tpu.memref_squeeze %dma_start3A_113 : memref<1x49920xf32, #tpu.memory_space<hbm>> -> memref<49920xf32, #tpu.memory_space<hbm>>
    tpu.enqueue_dma source(%dma_start3A_114 : memref<49920xf32, #tpu.memory_space<hbm>>) target(%dma_start3A_111 : memref<49920xf32, #tpu.memory_space<vmem>>) target_semaphore(%arg11 : memref<!tpu.dma_semaphore, #tpu.memory_space<semaphore_mem>>)
    %dma_wait3A_115 = arith.constant 0 : i32
    %dma_wait3A_116 = tpu.memref_slice %arg7[%dma_wait3A_115] : memref<50080xf32, #tpu.memory_space<vmem>> -> memref<50080xf32, #tpu.memory_space<vmem>>
    %dma_wait3A_117 = arith.constant 49920 : i32
    %dma_wait3A_118 = tpu.memref_slice %arg2[%add3A_61, %dma_wait3A_117] : memref<128x100000xf32, #tpu.memory_space<hbm>> -> memref<1x50080xf32, #tpu.memory_space<hbm>>
    %dma_wait3A_119 = tpu.memref_squeeze %dma_wait3A_118 : memref<1x50080xf32, #tpu.memory_space<hbm>> -> memref<50080xf32, #tpu.memory_space<hbm>>
    %dma_wait3A_120 = arith.constant 0 : i32
    %dma_wait3A_121 = tpu.memref_slice %arg7[%dma_wait3A_120] : memref<50080xf32, #tpu.memory_space<vmem>> -> memref<50080xf32, #tpu.memory_space<vmem>>
    %dma_wait3A_122 = arith.constant 49920 : i32
    %dma_wait3A_123 = tpu.memref_slice %arg2[%add3A_61, %dma_wait3A_122] : memref<128x100000xf32, #tpu.memory_space<hbm>> -> memref<1x50080xf32, #tpu.memory_space<hbm>>
    %dma_wait3A_124 = tpu.memref_squeeze %dma_wait3A_123 : memref<1x50080xf32, #tpu.memory_space<hbm>> -> memref<50080xf32, #tpu.memory_space<hbm>>
    tpu.wait_dma2 semaphore(%arg12 : memref<!tpu.dma_semaphore, #tpu.memory_space<semaphore_mem>>) src(%dma_wait3A_124 : memref<50080xf32, #tpu.memory_space<hbm>>) dst(%dma_wait3A_121 : memref<50080xf32, #tpu.memory_space<vmem>>)
    %sub3A_125 = arith.constant 49920 : i32
    %sub3A_126 = vector.broadcast %sub3A_125 : i32 to vector<16xi32>
    %sub3A_127 = arith.subi %gather3A, %sub3A_126 : vector<16xi32>
    %ge3A_128 = arith.constant 0 : i32
    %ge3A_129 = vector.broadcast %ge3A_128 : i32 to vector<16xi32>
    %ge3A_130 = arith.cmpi sge, %sub3A_127, %ge3A_129 : vector<16xi32>
    %lt3A_131 = arith.constant 50080 : i32
    %lt3A_132 = vector.broadcast %lt3A_131 : i32 to vector<16xi32>
    %lt3A_133 = arith.cmpi slt, %sub3A_127, %lt3A_132 : vector<16xi32>
    %and3A_134 = arith.andi %ge3A_130, %lt3A_133 : vector<16xi1>
    %min3A_135 = arith.constant 50079 : i32
    %min3A_136 = vector.broadcast %min3A_135 : i32 to vector<16xi32>
    %min3A_137 = arith.minsi %sub3A_127, %min3A_136 : vector<16xi32>
    %max3A_138 = arith.constant 0 : i32
    %max3A_139 = vector.broadcast %max3A_138 : i32 to vector<16xi32>
    %max3A_140 = arith.maxsi %max3A_139, %min3A_137 : vector<16xi32>
    %gather3A_141 = tpu.vector_load_idx %arg7[%max3A_140] : memref<50080xf32, #tpu.memory_space<vmem>>[vector<16xi32>], vector<16xf32>,
    %select_n3A_142 = arith.select %and3A_134, %gather3A_141, %select_n3A : vector<16xi1>, vector<16xf32>
    %scan3A_143 = arith.constant 0 : i32
    %scan3A_144 = arith.constant 626 : i32
    %scan3A_145 = arith.addi %scan3A_143, %scan3A_144 : i32
    %scan3A_146 = arith.constant 1 : i32
    %scan3A_147:15 = scf.for %scan3A_604 = %scan3A_143 to %scan3A_145 step %scan3A_146 iter_args(%scan3A_605 = %scan3A_95#0, %scan3A_606 = %scan3A_95#1, %scan3A_607 = %scan3A_95#2, %scan3A_608 = %scan3A_95#3, %scan3A_609 = %scan3A_95#4, %scan3A_610 = %scan3A_95#5, %scan3A_611 = %scan3A_95#6, %scan3A_612 = %scan3A_95#7, %scan3A_613 = %scan3A_95#8, %scan3A_614 = %scan3A_95#9, %scan3A_615 = %scan3A_95#10, %scan3A_616 = %scan3A_95#11, %scan3A_617 = %scan3A_95#12, %scan3A_618 = %scan3A_95#13, %scan3A_619 = %scan3A_95#14) -> (vector<16xf32>, vector<16xf32>, vector<16xf32>, vector<16xf32>, vector<16xf32>, vector<16xi32>, vector<16xi32>, vector<16xi32>, vector<16xi32>, vector<16xi32>, vector<16xf32>, vector<16xf32>, vector<16xf32>, vector<16xf32>, vector<16xf32>)  : i32 {
      %mul3A_620 = arith.constant 80 : i32
      %mul3A_621 = arith.muli %scan3A_604, %mul3A_620 : i32
      %add3A_622 = arith.constant 624 : i32
      %add3A_623 = arith.addi %add3A_622, %scan3A_604 : i32
      %broadcast_in_dim3A_624 = vector.broadcast %add3A_623 : i32 to vector<16xi32>
      %add3A_625 = arith.constant 0 : i32
      %add3A_626 = arith.addi %mul3A_621, %add3A_625 : i32
      %get3A = arith.index_cast %add3A_626 : i32 to index
      %get3A_627 = tpu.vector_load %arg7[%get3A] {strides = array<i32>} : memref<50080xf32, #tpu.memory_space<vmem>>, vector<16xf32>,
      %gt3A_628 = arith.cmpf ogt, %get3A_627, %scan3A_605 : vector<16xf32>
      %max3A_629 = arith.maximumf %scan3A_605, %get3A_627 : vector<16xf32>
      %select_n3A_630 = arith.select %gt3A_628, %broadcast_in_dim3A_624, %scan3A_610 : vector<16xi1>, vector<16xi32>
      %exp3A = math.exp %get3A_627 : vector<16xf32>
      %add3A_631 = arith.addf %scan3A_615, %exp3A : vector<16xf32>
      %add3A_632 = arith.constant 16 : i32
      %add3A_633 = arith.addi %mul3A_621, %add3A_632 : i32
      %get3A_634 = arith.index_cast %add3A_633 : i32 to index
      %get3A_635 = tpu.vector_load %arg7[%get3A_634] {strides = array<i32>} : memref<50080xf32, #tpu.memory_space<vmem>>, vector<16xf32>,
      %gt3A_636 = arith.cmpf ogt, %get3A_635, %scan3A_606 : vector<16xf32>
      %max3A_637 = arith.maximumf %scan3A_606, %get3A_635 : vector<16xf32>
      %select_n3A_638 = arith.select %gt3A_636, %broadcast_in_dim3A_624, %scan3A_611 : vector<16xi1>, vector<16xi32>
      %exp3A_639 = math.exp %get3A_635 : vector<16xf32>
      %add3A_640 = arith.addf %scan3A_616, %exp3A_639 : vector<16xf32>
      %add3A_641 = arith.constant 32 : i32
      %add3A_642 = arith.addi %mul3A_621, %add3A_641 : i32
      %get3A_643 = arith.index_cast %add3A_642 : i32 to index
      %get3A_644 = tpu.vector_load %arg7[%get3A_643] {strides = array<i32>} : memref<50080xf32, #tpu.memory_space<vmem>>, vector<16xf32>,
      %gt3A_645 = arith.cmpf ogt, %get3A_644, %scan3A_607 : vector<16xf32>
      %max3A_646 = arith.maximumf %scan3A_607, %get3A_644 : vector<16xf32>
      %select_n3A_647 = arith.select %gt3A_645, %broadcast_in_dim3A_624, %scan3A_612 : vector<16xi1>, vector<16xi32>
      %exp3A_648 = math.exp %get3A_644 : vector<16xf32>
      %add3A_649 = arith.addf %scan3A_617, %exp3A_648 : vector<16xf32>
      %add3A_650 = arith.constant 48 : i32
      %add3A_651 = arith.addi %mul3A_621, %add3A_650 : i32
      %get3A_652 = arith.index_cast %add3A_651 : i32 to index
      %get3A_653 = tpu.vector_load %arg7[%get3A_652] {strides = array<i32>} : memref<50080xf32, #tpu.memory_space<vmem>>, vector<16xf32>,
      %gt3A_654 = arith.cmpf ogt, %get3A_653, %scan3A_608 : vector<16xf32>
      %max3A_655 = arith.maximumf %scan3A_608, %get3A_653 : vector<16xf32>
      %select_n3A_656 = arith.select %gt3A_654, %broadcast_in_dim3A_624, %scan3A_613 : vector<16xi1>, vector<16xi32>
      %exp3A_657 = math.exp %get3A_653 : vector<16xf32>
      %add3A_658 = arith.addf %scan3A_618, %exp3A_657 : vector<16xf32>
      %add3A_659 = arith.constant 64 : i32
      %add3A_660 = arith.addi %mul3A_621, %add3A_659 : i32
      %get3A_661 = arith.index_cast %add3A_660 : i32 to index
      %get3A_662 = tpu.vector_load %arg7[%get3A_661] {strides = array<i32>} : memref<50080xf32, #tpu.memory_space<vmem>>, vector<16xf32>,
      %gt3A_663 = arith.cmpf ogt, %get3A_662, %scan3A_609 : vector<16xf32>
      %max3A_664 = arith.maximumf %scan3A_609, %get3A_662 : vector<16xf32>
      %select_n3A_665 = arith.select %gt3A_663, %broadcast_in_dim3A_624, %scan3A_614 : vector<16xi1>, vector<16xi32>
      %exp3A_666 = math.exp %get3A_662 : vector<16xf32>
      %add3A_667 = arith.addf %scan3A_619, %exp3A_666 : vector<16xf32>
      scf.yield %max3A_629, %max3A_637, %max3A_646, %max3A_655, %max3A_664, %select_n3A_630, %select_n3A_638, %select_n3A_647, %select_n3A_656, %select_n3A_665, %add3A_631, %add3A_640, %add3A_649, %add3A_658, %add3A_667 : vector<16xf32>, vector<16xf32>, vector<16xf32>, vector<16xf32>, vector<16xf32>, vector<16xi32>, vector<16xi32>, vector<16xi32>, vector<16xi32>, vector<16xi32>, vector<16xf32>, vector<16xf32>, vector<16xf32>, vector<16xf32>, vector<16xf32>
    }
    %scan3A_148 = arith.constant 626 : i32
    %max3A_149 = arith.maximumf %scan3A_147#0, %scan3A_147#1 : vector<16xf32>
    %max3A_150 = arith.maximumf %max3A_149, %scan3A_147#2 : vector<16xf32>
    %max3A_151 = arith.maximumf %max3A_150, %scan3A_147#3 : vector<16xf32>
    %max3A_152 = arith.maximumf %max3A_151, %scan3A_147#4 : vector<16xf32>
    %mul3A_153 = arith.constant 5 : i32
    %mul3A_154 = vector.broadcast %mul3A_153 : i32 to vector<16xi32>
    %mul3A_155 = arith.muli %scan3A_147#5, %mul3A_154 : vector<16xi32>
    %add3A_156 = arith.constant 0 : i32
    %add3A_157 = vector.broadcast %add3A_156 : i32 to vector<16xi32>
    %add3A_158 = arith.addi %mul3A_155, %add3A_157 : vector<16xi32>
    %mul3A_159 = arith.constant 16 : i32
    %mul3A_160 = vector.broadcast %mul3A_159 : i32 to vector<16xi32>
    %mul3A_161 = arith.muli %add3A_158, %mul3A_160 : vector<16xi32>
    %add3A_162 = arith.addi %mul3A_161, %iota3A : vector<16xi32>
    %eq3A = arith.cmpf oeq, %scan3A_147#0, %max3A_152 : vector<16xf32>
    %select_n3A_163 = arith.select %eq3A, %add3A_162, %broadcast_in_dim3A_20 : vector<16xi1>, vector<16xi32>
    %min3A_164 = arith.minsi %broadcast_in_dim3A_20, %select_n3A_163 : vector<16xi32>
    %mul3A_165 = arith.constant 5 : i32
    %mul3A_166 = vector.broadcast %mul3A_165 : i32 to vector<16xi32>
    %mul3A_167 = arith.muli %scan3A_147#6, %mul3A_166 : vector<16xi32>
    %add3A_168 = arith.constant 1 : i32
    %add3A_169 = vector.broadcast %add3A_168 : i32 to vector<16xi32>
    %add3A_170 = arith.addi %mul3A_167, %add3A_169 : vector<16xi32>
    %mul3A_171 = arith.constant 16 : i32
    %mul3A_172 = vector.broadcast %mul3A_171 : i32 to vector<16xi32>
    %mul3A_173 = arith.muli %add3A_170, %mul3A_172 : vector<16xi32>
    %add3A_174 = arith.addi %mul3A_173, %iota3A : vector<16xi32>
    %eq3A_175 = arith.cmpf oeq, %scan3A_147#1, %max3A_152 : vector<16xf32>
    %select_n3A_176 = arith.select %eq3A_175, %add3A_174, %broadcast_in_dim3A_20 : vector<16xi1>, vector<16xi32>
    %min3A_177 = arith.minsi %min3A_164, %select_n3A_176 : vector<16xi32>
    %mul3A_178 = arith.constant 5 : i32
    %mul3A_179 = vector.broadcast %mul3A_178 : i32 to vector<16xi32>
    %mul3A_180 = arith.muli %scan3A_147#7, %mul3A_179 : vector<16xi32>
    %add3A_181 = arith.constant 2 : i32
    %add3A_182 = vector.broadcast %add3A_181 : i32 to vector<16xi32>
    %add3A_183 = arith.addi %mul3A_180, %add3A_182 : vector<16xi32>
    %mul3A_184 = arith.constant 16 : i32
    %mul3A_185 = vector.broadcast %mul3A_184 : i32 to vector<16xi32>
    %mul3A_186 = arith.muli %add3A_183, %mul3A_185 : vector<16xi32>
    %add3A_187 = arith.addi %mul3A_186, %iota3A : vector<16xi32>
    %eq3A_188 = arith.cmpf oeq, %scan3A_147#2, %max3A_152 : vector<16xf32>
    %select_n3A_189 = arith.select %eq3A_188, %add3A_187, %broadcast_in_dim3A_20 : vector<16xi1>, vector<16xi32>
    %min3A_190 = arith.minsi %min3A_177, %select_n3A_189 : vector<16xi32>
    %mul3A_191 = arith.constant 5 : i32
    %mul3A_192 = vector.broadcast %mul3A_191 : i32 to vector<16xi32>
    %mul3A_193 = arith.muli %scan3A_147#8, %mul3A_192 : vector<16xi32>
    %add3A_194 = arith.constant 3 : i32
    %add3A_195 = vector.broadcast %add3A_194 : i32 to vector<16xi32>
    %add3A_196 = arith.addi %mul3A_193, %add3A_195 : vector<16xi32>
    %mul3A_197 = arith.constant 16 : i32
    %mul3A_198 = vector.broadcast %mul3A_197 : i32 to vector<16xi32>
    %mul3A_199 = arith.muli %add3A_196, %mul3A_198 : vector<16xi32>
    %add3A_200 = arith.addi %mul3A_199, %iota3A : vector<16xi32>
    %eq3A_201 = arith.cmpf oeq, %scan3A_147#3, %max3A_152 : vector<16xf32>
    %select_n3A_202 = arith.select %eq3A_201, %add3A_200, %broadcast_in_dim3A_20 : vector<16xi1>, vector<16xi32>
    %min3A_203 = arith.minsi %min3A_190, %select_n3A_202 : vector<16xi32>
    %mul3A_204 = arith.constant 5 : i32
    %mul3A_205 = vector.broadcast %mul3A_204 : i32 to vector<16xi32>
    %mul3A_206 = arith.muli %scan3A_147#9, %mul3A_205 : vector<16xi32>
    %add3A_207 = arith.constant 4 : i32
    %add3A_208 = vector.broadcast %add3A_207 : i32 to vector<16xi32>
    %add3A_209 = arith.addi %mul3A_206, %add3A_208 : vector<16xi32>
    %mul3A_210 = arith.constant 16 : i32
    %mul3A_211 = vector.broadcast %mul3A_210 : i32 to vector<16xi32>
    %mul3A_212 = arith.muli %add3A_209, %mul3A_211 : vector<16xi32>
    %add3A_213 = arith.addi %mul3A_212, %iota3A : vector<16xi32>
    %eq3A_214 = arith.cmpf oeq, %scan3A_147#4, %max3A_152 : vector<16xf32>
    %select_n3A_215 = arith.select %eq3A_214, %add3A_213, %broadcast_in_dim3A_20 : vector<16xi1>, vector<16xi32>
    %min3A_216 = arith.minsi %min3A_203, %select_n3A_215 : vector<16xi32>
    %add3A_217 = arith.addf %scan3A_147#10, %scan3A_147#11 : vector<16xf32>
    %add3A_218 = arith.addf %add3A_217, %scan3A_147#12 : vector<16xf32>
    %add3A_219 = arith.addf %add3A_218, %scan3A_147#13 : vector<16xf32>
    %add3A_220 = arith.addf %add3A_219, %scan3A_147#14 : vector<16xf32>
    %broadcast_in_dim3A_221 = arith.constant true
    %broadcast_in_dim3A_222 = vector.broadcast %broadcast_in_dim3A_221 : i1 to vector<16xi1>
    %masked_cummax3A = tpu.scan <max>, %max3A_152 masked %broadcast_in_dim3A_222 : vector<16xf32>, vector<16xi1> -> vector<16xf32>
    %swap3A = arith.constant 0 : index
    %swap3A_223 = tpu.vector_load %arg9[%swap3A] {strides = array<i32>} : memref<16xf32, #tpu.memory_space<vmem>>, vector<16xf32>,
    tpu.vector_store %arg9[%swap3A], %masked_cummax3A {strides = array<i32>} : memref<16xf32, #tpu.memory_space<vmem>>, vector<16xf32>,
    %gather3A_224 = tpu.vector_load_idx %arg9[%broadcast_in_dim3A_18] : memref<16xf32, #tpu.memory_space<vmem>>[vector<16xi32>], vector<16xf32>,
    %eq3A_225 = arith.cmpf oeq, %max3A_152, %gather3A_224 : vector<16xf32>
    %select_n3A_226 = arith.select %eq3A_225, %min3A_216, %broadcast_in_dim3A_20 : vector<16xi1>, vector<16xi32>
    %neg3A = arith.constant 0 : i32
    %neg3A_227 = vector.broadcast %neg3A : i32 to vector<16xi32>
    %neg3A_228 = arith.subi %neg3A_227, %select_n3A_226 : vector<16xi32>
    %broadcast_in_dim3A_229 = arith.constant true
    %broadcast_in_dim3A_230 = vector.broadcast %broadcast_in_dim3A_229 : i1 to vector<16xi1>
    %masked_cummax3A_231 = arith.constant -2147483648 : i32
    %masked_cummax3A_232 = vector.broadcast %masked_cummax3A_231 : i32 to vector<16xi32>
    %masked_cummax3A_233 = arith.xori %neg3A_228, %masked_cummax3A_232 : vector<16xi32>
    %masked_cummax3A_234 = tpu.scan <max>, %masked_cummax3A_233 masked %broadcast_in_dim3A_230 : vector<16xi32>, vector<16xi1> -> vector<16xi32>
    %masked_cummax3A_235 = arith.xori %masked_cummax3A_234, %masked_cummax3A_232 : vector<16xi32>
    %swap3A_236 = arith.constant 0 : index
    %swap3A_237 = tpu.vector_load %arg10[%swap3A_236] {strides = array<i32>} : memref<16xi32, #tpu.memory_space<vmem>>, vector<16xi32>,
    tpu.vector_store %arg10[%swap3A_236], %masked_cummax3A_235 {strides = array<i32>} : memref<16xi32, #tpu.memory_space<vmem>>, vector<16xi32>,
    %gather3A_238 = tpu.vector_load_idx %arg10[%broadcast_in_dim3A_18] : memref<16xi32, #tpu.memory_space<vmem>>[vector<16xi32>], vector<16xi32>,
    %neg3A_239 = arith.constant 0 : i32
    %neg3A_240 = vector.broadcast %neg3A_239 : i32 to vector<16xi32>
    %neg3A_241 = arith.subi %neg3A_240, %gather3A_238 : vector<16xi32>
    %broadcast_in_dim3A_242 = arith.constant true
    %broadcast_in_dim3A_243 = vector.broadcast %broadcast_in_dim3A_242 : i1 to vector<16xi1>
    %masked_cumsum3A = tpu.scan <sum>, %add3A_220 masked %broadcast_in_dim3A_243 : vector<16xf32>, vector<16xi1> -> vector<16xf32>
    %swap3A_244 = arith.constant 0 : index
    %swap3A_245 = tpu.vector_load %arg9[%swap3A_244] {strides = array<i32>} : memref<16xf32, #tpu.memory_space<vmem>>, vector<16xf32>,
    tpu.vector_store %arg9[%swap3A_244], %masked_cumsum3A {strides = array<i32>} : memref<16xf32, #tpu.memory_space<vmem>>, vector<16xf32>,
    %gather3A_246 = tpu.vector_load_idx %arg9[%broadcast_in_dim3A_18] : memref<16xf32, #tpu.memory_space<vmem>>[vector<16xi32>], vector<16xf32>,
    %bitcast3A = vector.bitcast %gather3A_246 : vector<16xf32> to vector<16xi32>
    %shift_right_arithmetic3A = arith.constant 23 : i32
    %shift_right_arithmetic3A_247 = vector.broadcast %shift_right_arithmetic3A : i32 to vector<16xi32>
    %shift_right_arithmetic3A_248 = arith.shrsi %bitcast3A, %shift_right_arithmetic3A_247 : vector<16xi32>
    %sub3A_249 = arith.constant 127 : i32
    %sub3A_250 = vector.broadcast %sub3A_249 : i32 to vector<16xi32>
    %sub3A_251 = arith.subi %shift_right_arithmetic3A_248, %sub3A_250 : vector<16xi32>
    %and3A_252 = arith.constant 8388607 : i32
    %and3A_253 = vector.broadcast %and3A_252 : i32 to vector<16xi32>
    %and3A_254 = arith.andi %bitcast3A, %and3A_253 : vector<16xi32>
    %or3A = arith.constant 1065353216 : i32
    %or3A_255 = vector.broadcast %or3A : i32 to vector<16xi32>
    %or3A_256 = arith.ori %and3A_254, %or3A_255 : vector<16xi32>
    %bitcast3A_257 = vector.bitcast %or3A_256 : vector<16xi32> to vector<16xf32>
    %gt3A = arith.constant 1.41421354 : f32
    %gt3A_258 = vector.broadcast %gt3A : f32 to vector<16xf32>
    %gt3A_259 = arith.cmpf ogt, %bitcast3A_257, %gt3A_258 : vector<16xf32>
    %mul3A_260 = arith.constant 5.000000e-01 : f32
    %mul3A_261 = vector.broadcast %mul3A_260 : f32 to vector<16xf32>
    %mul3A_262 = arith.mulf %bitcast3A_257, %mul3A_261 : vector<16xf32>
    %select_n3A_263 = arith.select %gt3A_259, %mul3A_262, %bitcast3A_257 : vector<16xi1>, vector<16xf32>
    %add3A_264 = arith.constant 1 : i32
    %add3A_265 = vector.broadcast %add3A_264 : i32 to vector<16xi32>
    %add3A_266 = arith.addi %sub3A_251, %add3A_265 : vector<16xi32>
    %select_n3A_267 = arith.select %gt3A_259, %add3A_266, %sub3A_251 : vector<16xi1>, vector<16xi32>
    %sub3A_268 = arith.constant 1.000000e+00 : f32
    %sub3A_269 = vector.broadcast %sub3A_268 : f32 to vector<16xf32>
    %sub3A_270 = arith.subf %select_n3A_263, %sub3A_269 : vector<16xf32>
    %add3A_271 = arith.constant 1.000000e+00 : f32
    %add3A_272 = vector.broadcast %add3A_271 : f32 to vector<16xf32>
    %add3A_273 = arith.addf %select_n3A_263, %add3A_272 : vector<16xf32>
    %div3A = arith.divf %sub3A_270, %add3A_273 : vector<16xf32>
    %mul3A_274 = arith.mulf %div3A, %div3A : vector<16xf32>
    %mul3A_275 = arith.constant 0.111111112 : f32
    %mul3A_276 = vector.broadcast %mul3A_275 : f32 to vector<16xf32>
    %mul3A_277 = arith.mulf %mul3A_276, %mul3A_274 : vector<16xf32>
    %add3A_278 = arith.constant 0.142857149 : f32
    %add3A_279 = vector.broadcast %add3A_278 : f32 to vector<16xf32>
    %add3A_280 = arith.addf %mul3A_277, %add3A_279 : vector<16xf32>
    %mul3A_281 = arith.mulf %add3A_280, %mul3A_274 : vector<16xf32>
    %add3A_282 = arith.constant 2.000000e-01 : f32
    %add3A_283 = vector.broadcast %add3A_282 : f32 to vector<16xf32>
    %add3A_284 = arith.addf %mul3A_281, %add3A_283 : vector<16xf32>
    %mul3A_285 = arith.mulf %add3A_284, %mul3A_274 : vector<16xf32>
    %add3A_286 = arith.constant 0.333333343 : f32
    %add3A_287 = vector.broadcast %add3A_286 : f32 to vector<16xf32>
    %add3A_288 = arith.addf %mul3A_285, %add3A_287 : vector<16xf32>
    %mul3A_289 = arith.mulf %add3A_288, %mul3A_274 : vector<16xf32>
    %add3A_290 = arith.constant 1.000000e+00 : f32
    %add3A_291 = vector.broadcast %add3A_290 : f32 to vector<16xf32>
    %add3A_292 = arith.addf %mul3A_289, %add3A_291 : vector<16xf32>
    %convert_element_type3A = arith.sitofp %select_n3A_267 : vector<16xi32> to vector<16xf32>
    %mul3A_293 = arith.constant 0.693147182 : f32
    %mul3A_294 = vector.broadcast %mul3A_293 : f32 to vector<16xf32>
    %mul3A_295 = arith.mulf %convert_element_type3A, %mul3A_294 : vector<16xf32>
    %mul3A_296 = arith.constant 2.000000e+00 : f32
    %mul3A_297 = vector.broadcast %mul3A_296 : f32 to vector<16xf32>
    %mul3A_298 = arith.mulf %mul3A_297, %div3A : vector<16xf32>
    %mul3A_299 = arith.mulf %mul3A_298, %add3A_292 : vector<16xf32>
    %add3A_300 = arith.addf %mul3A_295, %mul3A_299 : vector<16xf32>
    %sub3A_301 = arith.subf %select_n3A_142, %add3A_300 : vector<16xf32>
    %eq3A_302 = arith.constant 0 : i32
    %eq3A_303 = vector.broadcast %eq3A_302 : i32 to vector<16xi32>
    %eq3A_304 = arith.cmpi eq, %iota3A, %eq3A_303 : vector<16xi32>
    %select_n3A_305 = arith.select %eq3A_304, %sub3A_301, %broadcast_in_dim3A_14 : vector<16xi1>, vector<16xf32>
    %select_n3A_306 = arith.select %eq3A_304, %neg3A_241, %broadcast_in_dim3A_16 : vector<16xi1>, vector<16xi32>
    %mul3A_307 = arith.constant 2 : i32
    %mul3A_308 = arith.muli %add3A, %mul3A_307 : i32
    %add3A_309 = arith.constant 1 : i32
    %add3A_310 = arith.addi %mul3A_308, %add3A_309 : i32
    %broadcast_in_dim3A_311 = vector.broadcast %add3A_310 : i32 to vector<16xi32>
    %gather3A_312 = tpu.vector_load_idx %arg8[%broadcast_in_dim3A_311] : memref<128xi32, #tpu.memory_space<vmem>>[vector<16xi32>], vector<16xi32>,
    %broadcast_in_dim3A_313 = arith.constant 0.000000e+00 : f32
    %broadcast_in_dim3A_314 = vector.broadcast %broadcast_in_dim3A_313 : f32 to vector<16xf32>
    %broadcast_in_dim3A_315 = arith.constant 0xFF800000 : f32
    %broadcast_in_dim3A_316 = vector.broadcast %broadcast_in_dim3A_315 : f32 to vector<16xf32>
    %broadcast_in_dim3A_317 = arith.constant 0xFF800000 : f32
    %broadcast_in_dim3A_318 = vector.broadcast %broadcast_in_dim3A_317 : f32 to vector<16xf32>
    %broadcast_in_dim3A_319 = arith.constant 0xFF800000 : f32
    %broadcast_in_dim3A_320 = vector.broadcast %broadcast_in_dim3A_319 : f32 to vector<16xf32>
    %broadcast_in_dim3A_321 = arith.constant 0xFF800000 : f32
    %broadcast_in_dim3A_322 = vector.broadcast %broadcast_in_dim3A_321 : f32 to vector<16xf32>
    %broadcast_in_dim3A_323 = arith.constant 0xFF800000 : f32
    %broadcast_in_dim3A_324 = vector.broadcast %broadcast_in_dim3A_323 : f32 to vector<16xf32>
    %broadcast_in_dim3A_325 = arith.constant 0 : i32
    %broadcast_in_dim3A_326 = vector.broadcast %broadcast_in_dim3A_325 : i32 to vector<16xi32>
    %broadcast_in_dim3A_327 = arith.constant 0 : i32
    %broadcast_in_dim3A_328 = vector.broadcast %broadcast_in_dim3A_327 : i32 to vector<16xi32>
    %broadcast_in_dim3A_329 = arith.constant 0 : i32
    %broadcast_in_dim3A_330 = vector.broadcast %broadcast_in_dim3A_329 : i32 to vector<16xi32>
    %broadcast_in_dim3A_331 = arith.constant 0 : i32
    %broadcast_in_dim3A_332 = vector.broadcast %broadcast_in_dim3A_331 : i32 to vector<16xi32>
    %broadcast_in_dim3A_333 = arith.constant 0 : i32
    %broadcast_in_dim3A_334 = vector.broadcast %broadcast_in_dim3A_333 : i32 to vector<16xi32>
    %broadcast_in_dim3A_335 = arith.constant 0.000000e+00 : f32
    %broadcast_in_dim3A_336 = vector.broadcast %broadcast_in_dim3A_335 : f32 to vector<16xf32>
    %broadcast_in_dim3A_337 = arith.constant 0.000000e+00 : f32
    %broadcast_in_dim3A_338 = vector.broadcast %broadcast_in_dim3A_337 : f32 to vector<16xf32>
    %broadcast_in_dim3A_339 = arith.constant 0.000000e+00 : f32
    %broadcast_in_dim3A_340 = vector.broadcast %broadcast_in_dim3A_339 : f32 to vector<16xf32>
    %broadcast_in_dim3A_341 = arith.constant 0.000000e+00 : f32
    %broadcast_in_dim3A_342 = vector.broadcast %broadcast_in_dim3A_341 : f32 to vector<16xf32>
    %broadcast_in_dim3A_343 = arith.constant 0.000000e+00 : f32
    %broadcast_in_dim3A_344 = vector.broadcast %broadcast_in_dim3A_343 : f32 to vector<16xf32>
    %mul3A_345 = arith.constant 2 : i32
    %mul3A_346 = arith.muli %add3A, %mul3A_345 : i32
    %add3A_347 = arith.constant 1 : i32
    %add3A_348 = arith.addi %mul3A_346, %add3A_347 : i32
    %dma_start3A_349 = arith.constant 0 : i32
    %dma_start3A_350 = tpu.memref_slice %arg7[%dma_start3A_349] : memref<50080xf32, #tpu.memory_space<vmem>> -> memref<50080xf32, #tpu.memory_space<vmem>>
    %dma_start3A_351 = arith.constant 49920 : i32
    %dma_start3A_352 = tpu.memref_slice %arg2[%add3A_348, %dma_start3A_351] : memref<128x100000xf32, #tpu.memory_space<hbm>> -> memref<1x50080xf32, #tpu.memory_space<hbm>>
    %dma_start3A_353 = tpu.memref_squeeze %dma_start3A_352 : memref<1x50080xf32, #tpu.memory_space<hbm>> -> memref<50080xf32, #tpu.memory_space<hbm>>
    %dma_start3A_354 = arith.constant 0 : i32
    %dma_start3A_355 = tpu.memref_slice %arg7[%dma_start3A_354] : memref<50080xf32, #tpu.memory_space<vmem>> -> memref<50080xf32, #tpu.memory_space<vmem>>
    %dma_start3A_356 = arith.constant 49920 : i32
    %dma_start3A_357 = tpu.memref_slice %arg2[%add3A_348, %dma_start3A_356] : memref<128x100000xf32, #tpu.memory_space<hbm>> -> memref<1x50080xf32, #tpu.memory_space<hbm>>
    %dma_start3A_358 = tpu.memref_squeeze %dma_start3A_357 : memref<1x50080xf32, #tpu.memory_space<hbm>> -> memref<50080xf32, #tpu.memory_space<hbm>>
    tpu.enqueue_dma source(%dma_start3A_358 : memref<50080xf32, #tpu.memory_space<hbm>>) target(%dma_start3A_355 : memref<50080xf32, #tpu.memory_space<vmem>>) target_semaphore(%arg12 : memref<!tpu.dma_semaphore, #tpu.memory_space<semaphore_mem>>)
    %dma_wait3A_359 = arith.constant 0 : i32
    %dma_wait3A_360 = tpu.memref_slice %arg6[%dma_wait3A_359] : memref<50080xf32, #tpu.memory_space<vmem>> -> memref<49920xf32, #tpu.memory_space<vmem>>
    %dma_wait3A_361 = arith.constant 0 : i32
    %dma_wait3A_362 = tpu.memref_slice %arg2[%add3A_104, %dma_wait3A_361] : memref<128x100000xf32, #tpu.memory_space<hbm>> -> memref<1x49920xf32, #tpu.memory_space<hbm>>
    %dma_wait3A_363 = tpu.memref_squeeze %dma_wait3A_362 : memref<1x49920xf32, #tpu.memory_space<hbm>> -> memref<49920xf32, #tpu.memory_space<hbm>>
    %dma_wait3A_364 = arith.constant 0 : i32
    %dma_wait3A_365 = tpu.memref_slice %arg6[%dma_wait3A_364] : memref<50080xf32, #tpu.memory_space<vmem>> -> memref<49920xf32, #tpu.memory_space<vmem>>
    %dma_wait3A_366 = arith.constant 0 : i32
    %dma_wait3A_367 = tpu.memref_slice %arg2[%add3A_104, %dma_wait3A_366] : memref<128x100000xf32, #tpu.memory_space<hbm>> -> memref<1x49920xf32, #tpu.memory_space<hbm>>
    %dma_wait3A_368 = tpu.memref_squeeze %dma_wait3A_367 : memref<1x49920xf32, #tpu.memory_space<hbm>> -> memref<49920xf32, #tpu.memory_space<hbm>>
    tpu.wait_dma2 semaphore(%arg11 : memref<!tpu.dma_semaphore, #tpu.memory_space<semaphore_mem>>) src(%dma_wait3A_368 : memref<49920xf32, #tpu.memory_space<hbm>>) dst(%dma_wait3A_365 : memref<49920xf32, #tpu.memory_space<vmem>>)
    %sub3A_369 = arith.constant 0 : i32
    %sub3A_370 = vector.broadcast %sub3A_369 : i32 to vector<16xi32>
    %sub3A_371 = arith.subi %gather3A_312, %sub3A_370 : vector<16xi32>
    %ge3A_372 = arith.constant 0 : i32
    %ge3A_373 = vector.broadcast %ge3A_372 : i32 to vector<16xi32>
    %ge3A_374 = arith.cmpi sge, %sub3A_371, %ge3A_373 : vector<16xi32>
    %lt3A_375 = arith.constant 49920 : i32
    %lt3A_376 = vector.broadcast %lt3A_375 : i32 to vector<16xi32>
    %lt3A_377 = arith.cmpi slt, %sub3A_371, %lt3A_376 : vector<16xi32>
    %and3A_378 = arith.andi %ge3A_374, %lt3A_377 : vector<16xi1>
    %min3A_379 = arith.constant 49919 : i32
    %min3A_380 = vector.broadcast %min3A_379 : i32 to vector<16xi32>
    %min3A_381 = arith.minsi %sub3A_371, %min3A_380 : vector<16xi32>
    %max3A_382 = arith.constant 0 : i32
    %max3A_383 = vector.broadcast %max3A_382 : i32 to vector<16xi32>
    %max3A_384 = arith.maxsi %max3A_383, %min3A_381 : vector<16xi32>
    %gather3A_385 = tpu.vector_load_idx %arg6[%max3A_384] : memref<50080xf32, #tpu.memory_space<vmem>>[vector<16xi32>], vector<16xf32>,
    %select_n3A_386 = arith.select %and3A_378, %gather3A_385, %broadcast_in_dim3A_314 : vector<16xi1>, vector<16xf32>
    %scan3A_387 = arith.constant 0 : i32
    %scan3A_388 = arith.constant 624 : i32
    %scan3A_389 = arith.addi %scan3A_387, %scan3A_388 : i32
    %scan3A_390 = arith.constant 1 : i32
    %scan3A_391:15 = scf.for %scan3A_604 = %scan3A_387 to %scan3A_389 step %scan3A_390 iter_args(%scan3A_605 = %broadcast_in_dim3A_316, %scan3A_606 = %broadcast_in_dim3A_318, %scan3A_607 = %broadcast_in_dim3A_320, %scan3A_608 = %broadcast_in_dim3A_322, %scan3A_609 = %broadcast_in_dim3A_324, %scan3A_610 = %broadcast_in_dim3A_326, %scan3A_611 = %broadcast_in_dim3A_328, %scan3A_612 = %broadcast_in_dim3A_330, %scan3A_613 = %broadcast_in_dim3A_332, %scan3A_614 = %broadcast_in_dim3A_334, %scan3A_615 = %broadcast_in_dim3A_336, %scan3A_616 = %broadcast_in_dim3A_338, %scan3A_617 = %broadcast_in_dim3A_340, %scan3A_618 = %broadcast_in_dim3A_342, %scan3A_619 = %broadcast_in_dim3A_344) -> (vector<16xf32>, vector<16xf32>, vector<16xf32>, vector<16xf32>, vector<16xf32>, vector<16xi32>, vector<16xi32>, vector<16xi32>, vector<16xi32>, vector<16xi32>, vector<16xf32>, vector<16xf32>, vector<16xf32>, vector<16xf32>, vector<16xf32>)  : i32 {
      %mul3A_620 = arith.constant 80 : i32
      %mul3A_621 = arith.muli %scan3A_604, %mul3A_620 : i32
      %add3A_622 = arith.constant 0 : i32
      %add3A_623 = arith.addi %add3A_622, %scan3A_604 : i32
      %broadcast_in_dim3A_624 = vector.broadcast %add3A_623 : i32 to vector<16xi32>
      %add3A_625 = arith.constant 0 : i32
      %add3A_626 = arith.addi %mul3A_621, %add3A_625 : i32
      %get3A = arith.index_cast %add3A_626 : i32 to index
      %get3A_627 = tpu.vector_load %arg6[%get3A] {strides = array<i32>} : memref<50080xf32, #tpu.memory_space<vmem>>, vector<16xf32>,
      %gt3A_628 = arith.cmpf ogt, %get3A_627, %scan3A_605 : vector<16xf32>
      %max3A_629 = arith.maximumf %scan3A_605, %get3A_627 : vector<16xf32>
      %select_n3A_630 = arith.select %gt3A_628, %broadcast_in_dim3A_624, %scan3A_610 : vector<16xi1>, vector<16xi32>
      %exp3A = math.exp %get3A_627 : vector<16xf32>
      %add3A_631 = arith.addf %scan3A_615, %exp3A : vector<16xf32>
      %add3A_632 = arith.constant 16 : i32
      %add3A_633 = arith.addi %mul3A_621, %add3A_632 : i32
      %get3A_634 = arith.index_cast %add3A_633 : i32 to index
      %get3A_635 = tpu.vector_load %arg6[%get3A_634] {strides = array<i32>} : memref<50080xf32, #tpu.memory_space<vmem>>, vector<16xf32>,
      %gt3A_636 = arith.cmpf ogt, %get3A_635, %scan3A_606 : vector<16xf32>
      %max3A_637 = arith.maximumf %scan3A_606, %get3A_635 : vector<16xf32>
      %select_n3A_638 = arith.select %gt3A_636, %broadcast_in_dim3A_624, %scan3A_611 : vector<16xi1>, vector<16xi32>
      %exp3A_639 = math.exp %get3A_635 : vector<16xf32>
      %add3A_640 = arith.addf %scan3A_616, %exp3A_639 : vector<16xf32>
      %add3A_641 = arith.constant 32 : i32
      %add3A_642 = arith.addi %mul3A_621, %add3A_641 : i32
      %get3A_643 = arith.index_cast %add3A_642 : i32 to index
      %get3A_644 = tpu.vector_load %arg6[%get3A_643] {strides = array<i32>} : memref<50080xf32, #tpu.memory_space<vmem>>, vector<16xf32>,
      %gt3A_645 = arith.cmpf ogt, %get3A_644, %scan3A_607 : vector<16xf32>
      %max3A_646 = arith.maximumf %scan3A_607, %get3A_644 : vector<16xf32>
      %select_n3A_647 = arith.select %gt3A_645, %broadcast_in_dim3A_624, %scan3A_612 : vector<16xi1>, vector<16xi32>
      %exp3A_648 = math.exp %get3A_644 : vector<16xf32>
      %add3A_649 = arith.addf %scan3A_617, %exp3A_648 : vector<16xf32>
      %add3A_650 = arith.constant 48 : i32
      %add3A_651 = arith.addi %mul3A_621, %add3A_650 : i32
      %get3A_652 = arith.index_cast %add3A_651 : i32 to index
      %get3A_653 = tpu.vector_load %arg6[%get3A_652] {strides = array<i32>} : memref<50080xf32, #tpu.memory_space<vmem>>, vector<16xf32>,
      %gt3A_654 = arith.cmpf ogt, %get3A_653, %scan3A_608 : vector<16xf32>
      %max3A_655 = arith.maximumf %scan3A_608, %get3A_653 : vector<16xf32>
      %select_n3A_656 = arith.select %gt3A_654, %broadcast_in_dim3A_624, %scan3A_613 : vector<16xi1>, vector<16xi32>
      %exp3A_657 = math.exp %get3A_653 : vector<16xf32>
      %add3A_658 = arith.addf %scan3A_618, %exp3A_657 : vector<16xf32>
      %add3A_659 = arith.constant 64 : i32
      %add3A_660 = arith.addi %mul3A_621, %add3A_659 : i32
      %get3A_661 = arith.index_cast %add3A_660 : i32 to index
      %get3A_662 = tpu.vector_load %arg6[%get3A_661] {strides = array<i32>} : memref<50080xf32, #tpu.memory_space<vmem>>, vector<16xf32>,
      %gt3A_663 = arith.cmpf ogt, %get3A_662, %scan3A_609 : vector<16xf32>
      %max3A_664 = arith.maximumf %scan3A_609, %get3A_662 : vector<16xf32>
      %select_n3A_665 = arith.select %gt3A_663, %broadcast_in_dim3A_624, %scan3A_614 : vector<16xi1>, vector<16xi32>
      %exp3A_666 = math.exp %get3A_662 : vector<16xf32>
      %add3A_667 = arith.addf %scan3A_619, %exp3A_666 : vector<16xf32>
      scf.yield %max3A_629, %max3A_637, %max3A_646, %max3A_655, %max3A_664, %select_n3A_630, %select_n3A_638, %select_n3A_647, %select_n3A_656, %select_n3A_665, %add3A_631, %add3A_640, %add3A_649, %add3A_658, %add3A_667 : vector<16xf32>, vector<16xf32>, vector<16xf32>, vector<16xf32>, vector<16xf32>, vector<16xi32>, vector<16xi32>, vector<16xi32>, vector<16xi32>, vector<16xi32>, vector<16xf32>, vector<16xf32>, vector<16xf32>, vector<16xf32>, vector<16xf32>
    }
    %scan3A_392 = arith.constant 624 : i32
    %mul3A_393 = arith.constant 2 : i32
    %mul3A_394 = arith.muli %add3A, %mul3A_393 : i32
    %add3A_395 = arith.constant 1 : i32
    %add3A_396 = arith.addi %mul3A_394, %add3A_395 : i32
    %dma_wait3A_397 = arith.constant 0 : i32
    %dma_wait3A_398 = tpu.memref_slice %arg7[%dma_wait3A_397] : memref<50080xf32, #tpu.memory_space<vmem>> -> memref<50080xf32, #tpu.memory_space<vmem>>
    %dma_wait3A_399 = arith.constant 49920 : i32
    %dma_wait3A_400 = tpu.memref_slice %arg2[%add3A_348, %dma_wait3A_399] : memref<128x100000xf32, #tpu.memory_space<hbm>> -> memref<1x50080xf32, #tpu.memory_space<hbm>>
    %dma_wait3A_401 = tpu.memref_squeeze %dma_wait3A_400 : memref<1x50080xf32, #tpu.memory_space<hbm>> -> memref<50080xf32, #tpu.memory_space<hbm>>
    %dma_wait3A_402 = arith.constant 0 : i32
    %dma_wait3A_403 = tpu.memref_slice %arg7[%dma_wait3A_402] : memref<50080xf32, #tpu.memory_space<vmem>> -> memref<50080xf32, #tpu.memory_space<vmem>>
    %dma_wait3A_404 = arith.constant 49920 : i32
    %dma_wait3A_405 = tpu.memref_slice %arg2[%add3A_348, %dma_wait3A_404] : memref<128x100000xf32, #tpu.memory_space<hbm>> -> memref<1x50080xf32, #tpu.memory_space<hbm>>
    %dma_wait3A_406 = tpu.memref_squeeze %dma_wait3A_405 : memref<1x50080xf32, #tpu.memory_space<hbm>> -> memref<50080xf32, #tpu.memory_space<hbm>>
    tpu.wait_dma2 semaphore(%arg12 : memref<!tpu.dma_semaphore, #tpu.memory_space<semaphore_mem>>) src(%dma_wait3A_406 : memref<50080xf32, #tpu.memory_space<hbm>>) dst(%dma_wait3A_403 : memref<50080xf32, #tpu.memory_space<vmem>>)
    %sub3A_407 = arith.constant 49920 : i32
    %sub3A_408 = vector.broadcast %sub3A_407 : i32 to vector<16xi32>
    %sub3A_409 = arith.subi %gather3A_312, %sub3A_408 : vector<16xi32>
    %ge3A_410 = arith.constant 0 : i32
    %ge3A_411 = vector.broadcast %ge3A_410 : i32 to vector<16xi32>
    %ge3A_412 = arith.cmpi sge, %sub3A_409, %ge3A_411 : vector<16xi32>
    %lt3A_413 = arith.constant 50080 : i32
    %lt3A_414 = vector.broadcast %lt3A_413 : i32 to vector<16xi32>
    %lt3A_415 = arith.cmpi slt, %sub3A_409, %lt3A_414 : vector<16xi32>
    %and3A_416 = arith.andi %ge3A_412, %lt3A_415 : vector<16xi1>
    %min3A_417 = arith.constant 50079 : i32
    %min3A_418 = vector.broadcast %min3A_417 : i32 to vector<16xi32>
    %min3A_419 = arith.minsi %sub3A_409, %min3A_418 : vector<16xi32>
    %max3A_420 = arith.constant 0 : i32
    %max3A_421 = vector.broadcast %max3A_420 : i32 to vector<16xi32>
    %max3A_422 = arith.maxsi %max3A_421, %min3A_419 : vector<16xi32>
    %gather3A_423 = tpu.vector_load_idx %arg7[%max3A_422] : memref<50080xf32, #tpu.memory_space<vmem>>[vector<16xi32>], vector<16xf32>,
    %select_n3A_424 = arith.select %and3A_416, %gather3A_423, %select_n3A_386 : vector<16xi1>, vector<16xf32>
    %scan3A_425 = arith.constant 0 : i32
    %scan3A_426 = arith.constant 626 : i32
    %scan3A_427 = arith.addi %scan3A_425, %scan3A_426 : i32
    %scan3A_428 = arith.constant 1 : i32
    %scan3A_429:15 = scf.for %scan3A_604 = %scan3A_425 to %scan3A_427 step %scan3A_428 iter_args(%scan3A_605 = %scan3A_391#0, %scan3A_606 = %scan3A_391#1, %scan3A_607 = %scan3A_391#2, %scan3A_608 = %scan3A_391#3, %scan3A_609 = %scan3A_391#4, %scan3A_610 = %scan3A_391#5, %scan3A_611 = %scan3A_391#6, %scan3A_612 = %scan3A_391#7, %scan3A_613 = %scan3A_391#8, %scan3A_614 = %scan3A_391#9, %scan3A_615 = %scan3A_391#10, %scan3A_616 = %scan3A_391#11, %scan3A_617 = %scan3A_391#12, %scan3A_618 = %scan3A_391#13, %scan3A_619 = %scan3A_391#14) -> (vector<16xf32>, vector<16xf32>, vector<16xf32>, vector<16xf32>, vector<16xf32>, vector<16xi32>, vector<16xi32>, vector<16xi32>, vector<16xi32>, vector<16xi32>, vector<16xf32>, vector<16xf32>, vector<16xf32>, vector<16xf32>, vector<16xf32>)  : i32 {
      %mul3A_620 = arith.constant 80 : i32
      %mul3A_621 = arith.muli %scan3A_604, %mul3A_620 : i32
      %add3A_622 = arith.constant 624 : i32
      %add3A_623 = arith.addi %add3A_622, %scan3A_604 : i32
      %broadcast_in_dim3A_624 = vector.broadcast %add3A_623 : i32 to vector<16xi32>
      %add3A_625 = arith.constant 0 : i32
      %add3A_626 = arith.addi %mul3A_621, %add3A_625 : i32
      %get3A = arith.index_cast %add3A_626 : i32 to index
      %get3A_627 = tpu.vector_load %arg7[%get3A] {strides = array<i32>} : memref<50080xf32, #tpu.memory_space<vmem>>, vector<16xf32>,
      %gt3A_628 = arith.cmpf ogt, %get3A_627, %scan3A_605 : vector<16xf32>
      %max3A_629 = arith.maximumf %scan3A_605, %get3A_627 : vector<16xf32>
      %select_n3A_630 = arith.select %gt3A_628, %broadcast_in_dim3A_624, %scan3A_610 : vector<16xi1>, vector<16xi32>
      %exp3A = math.exp %get3A_627 : vector<16xf32>
      %add3A_631 = arith.addf %scan3A_615, %exp3A : vector<16xf32>
      %add3A_632 = arith.constant 16 : i32
      %add3A_633 = arith.addi %mul3A_621, %add3A_632 : i32
      %get3A_634 = arith.index_cast %add3A_633 : i32 to index
      %get3A_635 = tpu.vector_load %arg7[%get3A_634] {strides = array<i32>} : memref<50080xf32, #tpu.memory_space<vmem>>, vector<16xf32>,
      %gt3A_636 = arith.cmpf ogt, %get3A_635, %scan3A_606 : vector<16xf32>
      %max3A_637 = arith.maximumf %scan3A_606, %get3A_635 : vector<16xf32>
      %select_n3A_638 = arith.select %gt3A_636, %broadcast_in_dim3A_624, %scan3A_611 : vector<16xi1>, vector<16xi32>
      %exp3A_639 = math.exp %get3A_635 : vector<16xf32>
      %add3A_640 = arith.addf %scan3A_616, %exp3A_639 : vector<16xf32>
      %add3A_641 = arith.constant 32 : i32
      %add3A_642 = arith.addi %mul3A_621, %add3A_641 : i32
      %get3A_643 = arith.index_cast %add3A_642 : i32 to index
      %get3A_644 = tpu.vector_load %arg7[%get3A_643] {strides = array<i32>} : memref<50080xf32, #tpu.memory_space<vmem>>, vector<16xf32>,
      %gt3A_645 = arith.cmpf ogt, %get3A_644, %scan3A_607 : vector<16xf32>
      %max3A_646 = arith.maximumf %scan3A_607, %get3A_644 : vector<16xf32>
      %select_n3A_647 = arith.select %gt3A_645, %broadcast_in_dim3A_624, %scan3A_612 : vector<16xi1>, vector<16xi32>
      %exp3A_648 = math.exp %get3A_644 : vector<16xf32>
      %add3A_649 = arith.addf %scan3A_617, %exp3A_648 : vector<16xf32>
      %add3A_650 = arith.constant 48 : i32
      %add3A_651 = arith.addi %mul3A_621, %add3A_650 : i32
      %get3A_652 = arith.index_cast %add3A_651 : i32 to index
      %get3A_653 = tpu.vector_load %arg7[%get3A_652] {strides = array<i32>} : memref<50080xf32, #tpu.memory_space<vmem>>, vector<16xf32>,
      %gt3A_654 = arith.cmpf ogt, %get3A_653, %scan3A_608 : vector<16xf32>
      %max3A_655 = arith.maximumf %scan3A_608, %get3A_653 : vector<16xf32>
      %select_n3A_656 = arith.select %gt3A_654, %broadcast_in_dim3A_624, %scan3A_613 : vector<16xi1>, vector<16xi32>
      %exp3A_657 = math.exp %get3A_653 : vector<16xf32>
      %add3A_658 = arith.addf %scan3A_618, %exp3A_657 : vector<16xf32>
      %add3A_659 = arith.constant 64 : i32
      %add3A_660 = arith.addi %mul3A_621, %add3A_659 : i32
      %get3A_661 = arith.index_cast %add3A_660 : i32 to index
      %get3A_662 = tpu.vector_load %arg7[%get3A_661] {strides = array<i32>} : memref<50080xf32, #tpu.memory_space<vmem>>, vector<16xf32>,
      %gt3A_663 = arith.cmpf ogt, %get3A_662, %scan3A_609 : vector<16xf32>
      %max3A_664 = arith.maximumf %scan3A_609, %get3A_662 : vector<16xf32>
      %select_n3A_665 = arith.select %gt3A_663, %broadcast_in_dim3A_624, %scan3A_614 : vector<16xi1>, vector<16xi32>
      %exp3A_666 = math.exp %get3A_662 : vector<16xf32>
      %add3A_667 = arith.addf %scan3A_619, %exp3A_666 : vector<16xf32>
      scf.yield %max3A_629, %max3A_637, %max3A_646, %max3A_655, %max3A_664, %select_n3A_630, %select_n3A_638, %select_n3A_647, %select_n3A_656, %select_n3A_665, %add3A_631, %add3A_640, %add3A_649, %add3A_658, %add3A_667 : vector<16xf32>, vector<16xf32>, vector<16xf32>, vector<16xf32>, vector<16xf32>, vector<16xi32>, vector<16xi32>, vector<16xi32>, vector<16xi32>, vector<16xi32>, vector<16xf32>, vector<16xf32>, vector<16xf32>, vector<16xf32>, vector<16xf32>
    }
    %scan3A_430 = arith.constant 626 : i32
    %max3A_431 = arith.maximumf %scan3A_429#0, %scan3A_429#1 : vector<16xf32>
    %max3A_432 = arith.maximumf %max3A_431, %scan3A_429#2 : vector<16xf32>
    %max3A_433 = arith.maximumf %max3A_432, %scan3A_429#3 : vector<16xf32>
    %max3A_434 = arith.maximumf %max3A_433, %scan3A_429#4 : vector<16xf32>
    %mul3A_435 = arith.constant 5 : i32
    %mul3A_436 = vector.broadcast %mul3A_435 : i32 to vector<16xi32>
    %mul3A_437 = arith.muli %scan3A_429#5, %mul3A_436 : vector<16xi32>
    %add3A_438 = arith.constant 0 : i32
    %add3A_439 = vector.broadcast %add3A_438 : i32 to vector<16xi32>
    %add3A_440 = arith.addi %mul3A_437, %add3A_439 : vector<16xi32>
    %mul3A_441 = arith.constant 16 : i32
    %mul3A_442 = vector.broadcast %mul3A_441 : i32 to vector<16xi32>
    %mul3A_443 = arith.muli %add3A_440, %mul3A_442 : vector<16xi32>
    %add3A_444 = arith.addi %mul3A_443, %iota3A : vector<16xi32>
    %eq3A_445 = arith.cmpf oeq, %scan3A_429#0, %max3A_434 : vector<16xf32>
    %select_n3A_446 = arith.select %eq3A_445, %add3A_444, %broadcast_in_dim3A_20 : vector<16xi1>, vector<16xi32>
    %min3A_447 = arith.minsi %broadcast_in_dim3A_20, %select_n3A_446 : vector<16xi32>
    %mul3A_448 = arith.constant 5 : i32
    %mul3A_449 = vector.broadcast %mul3A_448 : i32 to vector<16xi32>
    %mul3A_450 = arith.muli %scan3A_429#6, %mul3A_449 : vector<16xi32>
    %add3A_451 = arith.constant 1 : i32
    %add3A_452 = vector.broadcast %add3A_451 : i32 to vector<16xi32>
    %add3A_453 = arith.addi %mul3A_450, %add3A_452 : vector<16xi32>
    %mul3A_454 = arith.constant 16 : i32
    %mul3A_455 = vector.broadcast %mul3A_454 : i32 to vector<16xi32>
    %mul3A_456 = arith.muli %add3A_453, %mul3A_455 : vector<16xi32>
    %add3A_457 = arith.addi %mul3A_456, %iota3A : vector<16xi32>
    %eq3A_458 = arith.cmpf oeq, %scan3A_429#1, %max3A_434 : vector<16xf32>
    %select_n3A_459 = arith.select %eq3A_458, %add3A_457, %broadcast_in_dim3A_20 : vector<16xi1>, vector<16xi32>
    %min3A_460 = arith.minsi %min3A_447, %select_n3A_459 : vector<16xi32>
    %mul3A_461 = arith.constant 5 : i32
    %mul3A_462 = vector.broadcast %mul3A_461 : i32 to vector<16xi32>
    %mul3A_463 = arith.muli %scan3A_429#7, %mul3A_462 : vector<16xi32>
    %add3A_464 = arith.constant 2 : i32
    %add3A_465 = vector.broadcast %add3A_464 : i32 to vector<16xi32>
    %add3A_466 = arith.addi %mul3A_463, %add3A_465 : vector<16xi32>
    %mul3A_467 = arith.constant 16 : i32
    %mul3A_468 = vector.broadcast %mul3A_467 : i32 to vector<16xi32>
    %mul3A_469 = arith.muli %add3A_466, %mul3A_468 : vector<16xi32>
    %add3A_470 = arith.addi %mul3A_469, %iota3A : vector<16xi32>
    %eq3A_471 = arith.cmpf oeq, %scan3A_429#2, %max3A_434 : vector<16xf32>
    %select_n3A_472 = arith.select %eq3A_471, %add3A_470, %broadcast_in_dim3A_20 : vector<16xi1>, vector<16xi32>
    %min3A_473 = arith.minsi %min3A_460, %select_n3A_472 : vector<16xi32>
    %mul3A_474 = arith.constant 5 : i32
    %mul3A_475 = vector.broadcast %mul3A_474 : i32 to vector<16xi32>
    %mul3A_476 = arith.muli %scan3A_429#8, %mul3A_475 : vector<16xi32>
    %add3A_477 = arith.constant 3 : i32
    %add3A_478 = vector.broadcast %add3A_477 : i32 to vector<16xi32>
    %add3A_479 = arith.addi %mul3A_476, %add3A_478 : vector<16xi32>
    %mul3A_480 = arith.constant 16 : i32
    %mul3A_481 = vector.broadcast %mul3A_480 : i32 to vector<16xi32>
    %mul3A_482 = arith.muli %add3A_479, %mul3A_481 : vector<16xi32>
    %add3A_483 = arith.addi %mul3A_482, %iota3A : vector<16xi32>
    %eq3A_484 = arith.cmpf oeq, %scan3A_429#3, %max3A_434 : vector<16xf32>
    %select_n3A_485 = arith.select %eq3A_484, %add3A_483, %broadcast_in_dim3A_20 : vector<16xi1>, vector<16xi32>
    %min3A_486 = arith.minsi %min3A_473, %select_n3A_485 : vector<16xi32>
    %mul3A_487 = arith.constant 5 : i32
    %mul3A_488 = vector.broadcast %mul3A_487 : i32 to vector<16xi32>
    %mul3A_489 = arith.muli %scan3A_429#9, %mul3A_488 : vector<16xi32>
    %add3A_490 = arith.constant 4 : i32
    %add3A_491 = vector.broadcast %add3A_490 : i32 to vector<16xi32>
    %add3A_492 = arith.addi %mul3A_489, %add3A_491 : vector<16xi32>
    %mul3A_493 = arith.constant 16 : i32
    %mul3A_494 = vector.broadcast %mul3A_493 : i32 to vector<16xi32>
    %mul3A_495 = arith.muli %add3A_492, %mul3A_494 : vector<16xi32>
    %add3A_496 = arith.addi %mul3A_495, %iota3A : vector<16xi32>
    %eq3A_497 = arith.cmpf oeq, %scan3A_429#4, %max3A_434 : vector<16xf32>
    %select_n3A_498 = arith.select %eq3A_497, %add3A_496, %broadcast_in_dim3A_20 : vector<16xi1>, vector<16xi32>
    %min3A_499 = arith.minsi %min3A_486, %select_n3A_498 : vector<16xi32>
    %add3A_500 = arith.addf %scan3A_429#10, %scan3A_429#11 : vector<16xf32>
    %add3A_501 = arith.addf %add3A_500, %scan3A_429#12 : vector<16xf32>
    %add3A_502 = arith.addf %add3A_501, %scan3A_429#13 : vector<16xf32>
    %add3A_503 = arith.addf %add3A_502, %scan3A_429#14 : vector<16xf32>
    %broadcast_in_dim3A_504 = arith.constant true
    %broadcast_in_dim3A_505 = vector.broadcast %broadcast_in_dim3A_504 : i1 to vector<16xi1>
    %masked_cummax3A_506 = tpu.scan <max>, %max3A_434 masked %broadcast_in_dim3A_505 : vector<16xf32>, vector<16xi1> -> vector<16xf32>
    %swap3A_507 = arith.constant 0 : index
    %swap3A_508 = tpu.vector_load %arg9[%swap3A_507] {strides = array<i32>} : memref<16xf32, #tpu.memory_space<vmem>>, vector<16xf32>,
    tpu.vector_store %arg9[%swap3A_507], %masked_cummax3A_506 {strides = array<i32>} : memref<16xf32, #tpu.memory_space<vmem>>, vector<16xf32>,
    %gather3A_509 = tpu.vector_load_idx %arg9[%broadcast_in_dim3A_18] : memref<16xf32, #tpu.memory_space<vmem>>[vector<16xi32>], vector<16xf32>,
    %eq3A_510 = arith.cmpf oeq, %max3A_434, %gather3A_509 : vector<16xf32>
    %select_n3A_511 = arith.select %eq3A_510, %min3A_499, %broadcast_in_dim3A_20 : vector<16xi1>, vector<16xi32>
    %neg3A_512 = arith.constant 0 : i32
    %neg3A_513 = vector.broadcast %neg3A_512 : i32 to vector<16xi32>
    %neg3A_514 = arith.subi %neg3A_513, %select_n3A_511 : vector<16xi32>
    %broadcast_in_dim3A_515 = arith.constant true
    %broadcast_in_dim3A_516 = vector.broadcast %broadcast_in_dim3A_515 : i1 to vector<16xi1>
    %masked_cummax3A_517 = arith.constant -2147483648 : i32
    %masked_cummax3A_518 = vector.broadcast %masked_cummax3A_517 : i32 to vector<16xi32>
    %masked_cummax3A_519 = arith.xori %neg3A_514, %masked_cummax3A_518 : vector<16xi32>
    %masked_cummax3A_520 = tpu.scan <max>, %masked_cummax3A_519 masked %broadcast_in_dim3A_516 : vector<16xi32>, vector<16xi1> -> vector<16xi32>
    %masked_cummax3A_521 = arith.xori %masked_cummax3A_520, %masked_cummax3A_518 : vector<16xi32>
    %swap3A_522 = arith.constant 0 : index
    %swap3A_523 = tpu.vector_load %arg10[%swap3A_522] {strides = array<i32>} : memref<16xi32, #tpu.memory_space<vmem>>, vector<16xi32>,
    tpu.vector_store %arg10[%swap3A_522], %masked_cummax3A_521 {strides = array<i32>} : memref<16xi32, #tpu.memory_space<vmem>>, vector<16xi32>,
    %gather3A_524 = tpu.vector_load_idx %arg10[%broadcast_in_dim3A_18] : memref<16xi32, #tpu.memory_space<vmem>>[vector<16xi32>], vector<16xi32>,
    %neg3A_525 = arith.constant 0 : i32
    %neg3A_526 = vector.broadcast %neg3A_525 : i32 to vector<16xi32>
    %neg3A_527 = arith.subi %neg3A_526, %gather3A_524 : vector<16xi32>
    %broadcast_in_dim3A_528 = arith.constant true
    %broadcast_in_dim3A_529 = vector.broadcast %broadcast_in_dim3A_528 : i1 to vector<16xi1>
    %masked_cumsum3A_530 = tpu.scan <sum>, %add3A_503 masked %broadcast_in_dim3A_529 : vector<16xf32>, vector<16xi1> -> vector<16xf32>
    %swap3A_531 = arith.constant 0 : index
    %swap3A_532 = tpu.vector_load %arg9[%swap3A_531] {strides = array<i32>} : memref<16xf32, #tpu.memory_space<vmem>>, vector<16xf32>,
    tpu.vector_store %arg9[%swap3A_531], %masked_cumsum3A_530 {strides = array<i32>} : memref<16xf32, #tpu.memory_space<vmem>>, vector<16xf32>,
    %gather3A_533 = tpu.vector_load_idx %arg9[%broadcast_in_dim3A_18] : memref<16xf32, #tpu.memory_space<vmem>>[vector<16xi32>], vector<16xf32>,
    %bitcast3A_534 = vector.bitcast %gather3A_533 : vector<16xf32> to vector<16xi32>
    %shift_right_arithmetic3A_535 = arith.constant 23 : i32
    %shift_right_arithmetic3A_536 = vector.broadcast %shift_right_arithmetic3A_535 : i32 to vector<16xi32>
    %shift_right_arithmetic3A_537 = arith.shrsi %bitcast3A_534, %shift_right_arithmetic3A_536 : vector<16xi32>
    %sub3A_538 = arith.constant 127 : i32
    %sub3A_539 = vector.broadcast %sub3A_538 : i32 to vector<16xi32>
    %sub3A_540 = arith.subi %shift_right_arithmetic3A_537, %sub3A_539 : vector<16xi32>
    %and3A_541 = arith.constant 8388607 : i32
    %and3A_542 = vector.broadcast %and3A_541 : i32 to vector<16xi32>
    %and3A_543 = arith.andi %bitcast3A_534, %and3A_542 : vector<16xi32>
    %or3A_544 = arith.constant 1065353216 : i32
    %or3A_545 = vector.broadcast %or3A_544 : i32 to vector<16xi32>
    %or3A_546 = arith.ori %and3A_543, %or3A_545 : vector<16xi32>
    %bitcast3A_547 = vector.bitcast %or3A_546 : vector<16xi32> to vector<16xf32>
    %gt3A_548 = arith.constant 1.41421354 : f32
    %gt3A_549 = vector.broadcast %gt3A_548 : f32 to vector<16xf32>
    %gt3A_550 = arith.cmpf ogt, %bitcast3A_547, %gt3A_549 : vector<16xf32>
    %mul3A_551 = arith.constant 5.000000e-01 : f32
    %mul3A_552 = vector.broadcast %mul3A_551 : f32 to vector<16xf32>
    %mul3A_553 = arith.mulf %bitcast3A_547, %mul3A_552 : vector<16xf32>
    %select_n3A_554 = arith.select %gt3A_550, %mul3A_553, %bitcast3A_547 : vector<16xi1>, vector<16xf32>
    %add3A_555 = arith.constant 1 : i32
    %add3A_556 = vector.broadcast %add3A_555 : i32 to vector<16xi32>
    %add3A_557 = arith.addi %sub3A_540, %add3A_556 : vector<16xi32>
    %select_n3A_558 = arith.select %gt3A_550, %add3A_557, %sub3A_540 : vector<16xi1>, vector<16xi32>
    %sub3A_559 = arith.constant 1.000000e+00 : f32
    %sub3A_560 = vector.broadcast %sub3A_559 : f32 to vector<16xf32>
    %sub3A_561 = arith.subf %select_n3A_554, %sub3A_560 : vector<16xf32>
    %add3A_562 = arith.constant 1.000000e+00 : f32
    %add3A_563 = vector.broadcast %add3A_562 : f32 to vector<16xf32>
    %add3A_564 = arith.addf %select_n3A_554, %add3A_563 : vector<16xf32>
    %div3A_565 = arith.divf %sub3A_561, %add3A_564 : vector<16xf32>
    %mul3A_566 = arith.mulf %div3A_565, %div3A_565 : vector<16xf32>
    %mul3A_567 = arith.constant 0.111111112 : f32
    %mul3A_568 = vector.broadcast %mul3A_567 : f32 to vector<16xf32>
    %mul3A_569 = arith.mulf %mul3A_568, %mul3A_566 : vector<16xf32>
    %add3A_570 = arith.constant 0.142857149 : f32
    %add3A_571 = vector.broadcast %add3A_570 : f32 to vector<16xf32>
    %add3A_572 = arith.addf %mul3A_569, %add3A_571 : vector<16xf32>
    %mul3A_573 = arith.mulf %add3A_572, %mul3A_566 : vector<16xf32>
    %add3A_574 = arith.constant 2.000000e-01 : f32
    %add3A_575 = vector.broadcast %add3A_574 : f32 to vector<16xf32>
    %add3A_576 = arith.addf %mul3A_573, %add3A_575 : vector<16xf32>
    %mul3A_577 = arith.mulf %add3A_576, %mul3A_566 : vector<16xf32>
    %add3A_578 = arith.constant 0.333333343 : f32
    %add3A_579 = vector.broadcast %add3A_578 : f32 to vector<16xf32>
    %add3A_580 = arith.addf %mul3A_577, %add3A_579 : vector<16xf32>
    %mul3A_581 = arith.mulf %add3A_580, %mul3A_566 : vector<16xf32>
    %add3A_582 = arith.constant 1.000000e+00 : f32
    %add3A_583 = vector.broadcast %add3A_582 : f32 to vector<16xf32>
    %add3A_584 = arith.addf %mul3A_581, %add3A_583 : vector<16xf32>
    %convert_element_type3A_585 = arith.sitofp %select_n3A_558 : vector<16xi32> to vector<16xf32>
    %mul3A_586 = arith.constant 0.693147182 : f32
    %mul3A_587 = vector.broadcast %mul3A_586 : f32 to vector<16xf32>
    %mul3A_588 = arith.mulf %convert_element_type3A_585, %mul3A_587 : vector<16xf32>
    %mul3A_589 = arith.constant 2.000000e+00 : f32
    %mul3A_590 = vector.broadcast %mul3A_589 : f32 to vector<16xf32>
    %mul3A_591 = arith.mulf %mul3A_590, %div3A_565 : vector<16xf32>
    %mul3A_592 = arith.mulf %mul3A_591, %add3A_584 : vector<16xf32>
    %add3A_593 = arith.addf %mul3A_588, %mul3A_592 : vector<16xf32>
    %sub3A_594 = arith.subf %select_n3A_424, %add3A_593 : vector<16xf32>
    %eq3A_595 = arith.constant 1 : i32
    %eq3A_596 = vector.broadcast %eq3A_595 : i32 to vector<16xi32>
    %eq3A_597 = arith.cmpi eq, %iota3A, %eq3A_596 : vector<16xi32>
    %select_n3A_598 = arith.select %eq3A_597, %sub3A_594, %select_n3A_305 : vector<16xi1>, vector<16xf32>
    %select_n3A_599 = arith.select %eq3A_597, %neg3A_527, %select_n3A_306 : vector<16xi1>, vector<16xi32>
    %swap3A_600 = arith.constant 0 : index
    %swap3A_601 = tpu.vector_load %arg9[%swap3A_600] {strides = array<i32>} : memref<16xf32, #tpu.memory_space<vmem>>, vector<16xf32>,
    tpu.vector_store %arg9[%swap3A_600], %select_n3A_598 {strides = array<i32>} : memref<16xf32, #tpu.memory_space<vmem>>, vector<16xf32>,
    %swap3A_602 = arith.constant 0 : index
    %swap3A_603 = tpu.vector_load %arg10[%swap3A_602] {strides = array<i32>} : memref<16xi32, #tpu.memory_space<vmem>>, vector<16xi32>,
    tpu.vector_store %arg10[%swap3A_602], %select_n3A_599 {strides = array<i32>} : memref<16xi32, #tpu.memory_space<vmem>>, vector<16xi32>,
    "tpu.region"() ({
      %run_scoped3A = tpu.sem_alloc : memref<!tpu.dma_semaphore, #tpu.memory_space<semaphore_mem>>
      %dma_start3A_604 = arith.constant 0 : i32
      %dma_start3A_605 = tpu.memref_slice %arg4[%add3A, %dma_start3A_604] : memref<32x16xf32, #tpu.memory_space<hbm>> -> memref<1x16xf32, #tpu.memory_space<hbm>>
      %dma_start3A_606 = tpu.memref_squeeze %dma_start3A_605 : memref<1x16xf32, #tpu.memory_space<hbm>> -> memref<16xf32, #tpu.memory_space<hbm>>
      %dma_start3A_607 = arith.constant 0 : i32
      %dma_start3A_608 = tpu.memref_slice %arg4[%add3A, %dma_start3A_607] : memref<32x16xf32, #tpu.memory_space<hbm>> -> memref<1x16xf32, #tpu.memory_space<hbm>>
      %dma_start3A_609 = tpu.memref_squeeze %dma_start3A_608 : memref<1x16xf32, #tpu.memory_space<hbm>> -> memref<16xf32, #tpu.memory_space<hbm>>
      tpu.enqueue_dma source(%arg9 : memref<16xf32, #tpu.memory_space<vmem>>) target(%dma_start3A_609 : memref<16xf32, #tpu.memory_space<hbm>>) target_semaphore(%run_scoped3A : memref<!tpu.dma_semaphore, #tpu.memory_space<semaphore_mem>>)
      %dma_wait3A_610 = arith.constant 0 : i32
      %dma_wait3A_611 = tpu.memref_slice %arg4[%add3A, %dma_wait3A_610] : memref<32x16xf32, #tpu.memory_space<hbm>> -> memref<1x16xf32, #tpu.memory_space<hbm>>
      %dma_wait3A_612 = tpu.memref_squeeze %dma_wait3A_611 : memref<1x16xf32, #tpu.memory_space<hbm>> -> memref<16xf32, #tpu.memory_space<hbm>>
      %dma_wait3A_613 = arith.constant 0 : i32
      %dma_wait3A_614 = tpu.memref_slice %arg4[%add3A, %dma_wait3A_613] : memref<32x16xf32, #tpu.memory_space<hbm>> -> memref<1x16xf32, #tpu.memory_space<hbm>>
      %dma_wait3A_615 = tpu.memref_squeeze %dma_wait3A_614 : memref<1x16xf32, #tpu.memory_space<hbm>> -> memref<16xf32, #tpu.memory_space<hbm>>
      tpu.wait_dma2 semaphore(%run_scoped3A : memref<!tpu.dma_semaphore, #tpu.memory_space<semaphore_mem>>) src(%arg9 : memref<16xf32, #tpu.memory_space<vmem>>) dst(%dma_wait3A_615 : memref<16xf32, #tpu.memory_space<hbm>>)
      tpu.yield
    }) : () -> ()
    "tpu.region"() ({
      %run_scoped3A = tpu.sem_alloc : memref<!tpu.dma_semaphore, #tpu.memory_space<semaphore_mem>>
      %dma_start3A_604 = arith.constant 0 : i32
      %dma_start3A_605 = tpu.memref_slice %arg5[%add3A, %dma_start3A_604] : memref<32x16xi32, #tpu.memory_space<hbm>> -> memref<1x16xi32, #tpu.memory_space<hbm>>
      %dma_start3A_606 = tpu.memref_squeeze %dma_start3A_605 : memref<1x16xi32, #tpu.memory_space<hbm>> -> memref<16xi32, #tpu.memory_space<hbm>>
      %dma_start3A_607 = arith.constant 0 : i32
      %dma_start3A_608 = tpu.memref_slice %arg5[%add3A, %dma_start3A_607] : memref<32x16xi32, #tpu.memory_space<hbm>> -> memref<1x16xi32, #tpu.memory_space<hbm>>
      %dma_start3A_609 = tpu.memref_squeeze %dma_start3A_608 : memref<1x16xi32, #tpu.memory_space<hbm>> -> memref<16xi32, #tpu.memory_space<hbm>>
      tpu.enqueue_dma source(%arg10 : memref<16xi32, #tpu.memory_space<vmem>>) target(%dma_start3A_609 : memref<16xi32, #tpu.memory_space<hbm>>) target_semaphore(%run_scoped3A : memref<!tpu.dma_semaphore, #tpu.memory_space<semaphore_mem>>)
      %dma_wait3A_610 = arith.constant 0 : i32
      %dma_wait3A_611 = tpu.memref_slice %arg5[%add3A, %dma_wait3A_610] : memref<32x16xi32, #tpu.memory_space<hbm>> -> memref<1x16xi32, #tpu.memory_space<hbm>>
      %dma_wait3A_612 = tpu.memref_squeeze %dma_wait3A_611 : memref<1x16xi32, #tpu.memory_space<hbm>> -> memref<16xi32, #tpu.memory_space<hbm>>
      %dma_wait3A_613 = arith.constant 0 : i32
      %dma_wait3A_614 = tpu.memref_slice %arg5[%add3A, %dma_wait3A_613] : memref<32x16xi32, #tpu.memory_space<hbm>> -> memref<1x16xi32, #tpu.memory_space<hbm>>
      %dma_wait3A_615 = tpu.memref_squeeze %dma_wait3A_614 : memref<1x16xi32, #tpu.memory_space<hbm>> -> memref<16xi32, #tpu.memory_space<hbm>>
      tpu.wait_dma2 semaphore(%run_scoped3A : memref<!tpu.dma_semaphore, #tpu.memory_space<semaphore_mem>>) src(%arg10 : memref<16xi32, #tpu.memory_space<vmem>>) dst(%dma_wait3A_615 : memref<16xi32, #tpu.memory_space<hbm>>)
      tpu.yield
    }) : () -> ()
    return
  }
}

module attributes {stable_mosaic.version = 14 : i64} {
  func.func @_tc_body(%arg0: i32, %arg1: memref<8x1xi32, #tpu.memory_space<vmem>>, %arg2: memref<8x100000xf32, #tpu.memory_space<vmem>>, %arg3: memref<8x1xf32, #tpu.memory_space<vmem>>, %arg4: memref<8x1xi32, #tpu.memory_space<vmem>>) attributes {dimension_semantics = [#tpu.dimension_semantics<arbitrary>], iteration_bounds = array<i64: 8>, scalar_prefetch = 0 : i64, scratch_operands = 0 : i64, tpu.core_type = #tpu.core_type<tc>, window_params = [{transform_indices = @transform_0, window_bounds = array<i64: 8, 1>}, {transform_indices = @transform_1, window_bounds = array<i64: 8, 100000>}, {transform_indices = @transform_2, window_bounds = array<i64: 8, 1>}, {transform_indices = @transform_3, window_bounds = array<i64: 8, 1>}]} {
    %get3A = arith.constant 0 : index
    %get3A_0 = arith.constant 0 : index
    %get3A_1 = vector.load %arg2[%get3A, %get3A_0] : memref<8x100000xf32, #tpu.memory_space<vmem>>, vector<8x100000xf32>
    %iota3A = tpu.iota {dimensions = array<i32: 1>} : vector<8x100000xi32>
    %exp3A = math.exp %get3A_1 : vector<8x100000xf32>
    %reduce_sum3A = arith.constant dense<0.000000e+00> : vector<8xf32>
    %reduce_sum3A_2 = vector.multi_reduction <add>, %exp3A, %reduce_sum3A [1] : vector<8x100000xf32> to vector<8xf32>
    %broadcast_in_dim3A = vector.shape_cast %reduce_sum3A_2 : vector<8xf32> to vector<8x1xf32>
    %reduce_max3A = arith.constant dense<0xFF800000> : vector<8xf32>
    %reduce_max3A_3 = vector.multi_reduction <maximumf>, %get3A_1, %reduce_max3A [1] : vector<8x100000xf32> to vector<8xf32>
    %broadcast_in_dim3A_4 = vector.shape_cast %reduce_max3A_3 : vector<8xf32> to vector<8x1xf32>
    %eq3A = vector.broadcast %broadcast_in_dim3A_4 : vector<8x1xf32> to vector<8x100000xf32>
    %eq3A_5 = arith.cmpf oeq, %get3A_1, %eq3A : vector<8x100000xf32>
    %jit3A = arith.constant 2147483647 : i32
    %broadcast_in_dim3A_6 = vector.broadcast %jit3A : i32 to vector<8x100000xi32>
    %select_n3A = arith.select %eq3A_5, %iota3A, %broadcast_in_dim3A_6 : vector<8x100000xi1>, vector<8x100000xi32>
    %reduce_min3A = arith.constant dense<2147483647> : vector<8xi32>
    %reduce_min3A_7 = vector.multi_reduction <minsi>, %select_n3A, %reduce_min3A [1] : vector<8x100000xi32> to vector<8xi32>
    %broadcast_in_dim3A_8 = vector.shape_cast %reduce_min3A_7 : vector<8xi32> to vector<8x1xi32>
    %get3A_9 = arith.constant 0 : index
    %get3A_10 = arith.constant 0 : index
    %get3A_11 = vector.load %arg1[%get3A_9, %get3A_10] : memref<8x1xi32, #tpu.memory_space<vmem>>, vector<8x1xi32>
    %eq3A_12 = vector.broadcast %get3A_11 : vector<8x1xi32> to vector<8x100000xi32>
    %eq3A_13 = arith.cmpi eq, %iota3A, %eq3A_12 : vector<8x100000xi32>
    %jit3A_14 = arith.constant 0.000000e+00 : f32
    %broadcast_in_dim3A_15 = vector.broadcast %jit3A_14 : f32 to vector<8x100000xf32>
    %select_n3A_16 = arith.select %eq3A_13, %get3A_1, %broadcast_in_dim3A_15 : vector<8x100000xi1>, vector<8x100000xf32>
    %reduce_sum3A_17 = arith.constant dense<0.000000e+00> : vector<8xf32>
    %reduce_sum3A_18 = vector.multi_reduction <add>, %select_n3A_16, %reduce_sum3A_17 [1] : vector<8x100000xf32> to vector<8xf32>
    %broadcast_in_dim3A_19 = vector.shape_cast %reduce_sum3A_18 : vector<8xf32> to vector<8x1xf32>
    %log3A = math.log %broadcast_in_dim3A : vector<8x1xf32>
    %sub3A = arith.subf %broadcast_in_dim3A_19, %log3A : vector<8x1xf32>
    %swap3A = arith.constant 0 : index
    %swap3A_20 = arith.constant 0 : index
    %swap3A_21 = vector.load %arg3[%swap3A, %swap3A_20] : memref<8x1xf32, #tpu.memory_space<vmem>>, vector<8x1xf32>
    tpu.vector_store %arg3[%swap3A, %swap3A_20], %sub3A {strides = array<i32>} : memref<8x1xf32, #tpu.memory_space<vmem>>, vector<8x1xf32>,
    %swap3A_22 = arith.constant 0 : index
    %swap3A_23 = arith.constant 0 : index
    %swap3A_24 = vector.load %arg4[%swap3A_22, %swap3A_23] : memref<8x1xi32, #tpu.memory_space<vmem>>, vector<8x1xi32>
    tpu.vector_store %arg4[%swap3A_22, %swap3A_23], %broadcast_in_dim3A_8 {strides = array<i32>} : memref<8x1xi32, #tpu.memory_space<vmem>>, vector<8x1xi32>,
    return
  }
  func.func @transform_0(%arg0: i32) -> (i32, i32) {
    %add3A = arith.constant 8 : i32
    %add3A_0 = arith.addi %arg0, %add3A : i32
    %c0_i32 = arith.constant 0 : i32
    %c0_i32_1 = arith.constant 0 : i32
    return %add3A_0, %c0_i32 : i32, i32
  }
  func.func @transform_1(%arg0: i32) -> (i32, i32) {
    %add3A = arith.constant 8 : i32
    %add3A_0 = arith.addi %arg0, %add3A : i32
    %c0_i32 = arith.constant 0 : i32
    %c0_i32_1 = arith.constant 0 : i32
    return %add3A_0, %c0_i32 : i32, i32
  }
  func.func @transform_2(%arg0: i32) -> (i32, i32) {
    %c0_i32 = arith.constant 0 : i32
    %c0_i32_0 = arith.constant 0 : i32
    return %arg0, %c0_i32 : i32, i32
  }
  func.func @transform_3(%arg0: i32) -> (i32, i32) {
    %c0_i32 = arith.constant 0 : i32
    %c0_i32_0 = arith.constant 0 : i32
    return %arg0, %c0_i32 : i32, i32
  }
}

</mosaic_0001>

<sc_bundles>
// kernel: kernel.4.cloned.1.call-start
scs
__scs_entry_jumppad:
0x0: {  	(pc) =	sbr.rel $0x88, $3  }
0x1: {  	(tag) =	ssettag $0x0;
	lr =	simm.s32 $0x1  }
0x2: {  	[smem:$0x3F9F] =	sst lr;
	_ =	strace $0xD0000000  }
0x3: {  	_ = 	snop  }
0x4: {  	_ = 	snop  }
0x5: {  	_ = 	snop  }
0x6: {  	_ = 	snop  }
0x7: {  	_ = 	snop  }
__scs_overlays_trampoline_lowered:
0x8: {  	[smem:$0x3FAE] =	sst s0  }
0x9: {  	[smem:$0x3FAF] =	sst s1  }
0xa: {  	[smem:$0x3FB0] =	sst s2  }
0xb: {  	[smem:$0x3FB1] =	sst s3  }
0xc: {  	[smem:$0x3FB2] =	sst s4  }
0xd: {  	[smem:$0x3FB3] =	sst s5  }
0xe: {  	[smem:$0x3FB4] =	sst s6  }
0xf: {  	[smem:$0x3FB5] =	sst s7  }
0x10: {  	[smem:$0x3FB6] =	sst s8  }
0x11: {  	[smem:$0x3FB7] =	sst s9;
	s0 =	simm.s32 @!p0 $0x0  }
0x12: {  	s1 =	sld [smem:$0x3F9D];
	s0 =	simm.s32 @p0 $0x1  }
0x13: {  	[smem:$0x3FB8] =	sst s0;
	s0 =	simm.s32 @!p1 $0x0  }
0x14: {  	s2 =	sld [smem:$0x3F9C];
	s0 =	simm.s32 @p1 $0x1  }
0x15: {  	[smem:$0x3FB9] =	sst s0;
	s0 =	simm.s32 @!p2 $0x0  }
0x16: {  	s3 =	sld [smem:$0x3FDB];
	s0 =	simm.s32 @p2 $0x1  }
0x17: {  	s4 =	simm.s32 $0x1BF5;
	[smem:$0x3FBB] =	sst s0  }
0x18: {  	s0 =	sld [smem:$0x3F9E];
	_ =	swait.ge [sflag:s4], $0x0  }
0x19: {  	s7 =	sld [smem:$0x3F9F]  }
0x1a: {  	s8 =	sadd.s32 $0xFFFFE003, lr  }
0x1b: {  	s9 =	sadd.s32 $0xFFFFFEF7, lr;
	s5 =	simm.s32 $0xFFFFFFFF;
	p2 =	slt.u32 s8, $0xFFFFF086  }
0x1c: {  	p1 =	slt.u32 s9, $0xF7A;
	s5 =	simm.s32 @!p2 $0x0  }
0x1d: {  	s5 =	simm.s32 @p1 $0x1;
	p0 =	seq.s32 s7, s2  }
0x1e: {  	s7 =	smul.u32 @!p0 $0xF7A, s2;
	p2 =	seq.s32 @!p0 s5, $0x0  }
0x1f: {  	s9 =	smul.u32 $0xF7A, s1;
	s8 =	simm.s32 @!p0 $0x1BF5;
	p2 =	por !p2, p0  }
0x20: {  	[sflag:s8] =	ssyncset.s32 @!p0 $0xFFFFF086;
	s6 =	sadd.s32 @!p0 s3, s7;
	s7 =	simm.s32 @!p0 $0x108  }
0x21: {  	s3 =	sadd.s32 s3, s9;
	s6 =	sadd.s32 @!p0 $0x88, s6;
	s7 =	simm.s32 @p2 $0x1082  }
0x22: {  	[simem:s7], [sflag:s8] =	dma.local @!p0 [hbm:s6], $0xF7A  }
0x23: {  	s9 =	sor.u32 $0xD0000000, s2;
	s6 =	simm.s32 $0x108;
	_ =	swait.ge @!p0 [sflag:s8], $0x0  }
0x24: {  	s3 =	sadd.s32 $0x88, s3;
	s6 =	simm.s32 @!p1 $0x1082;
	[sflag:s4] =	ssyncset.s32 $0xFFFFF086  }
0x25: {  	[simem:s6], [sflag:s4] =	dma.local [hbm:s3], $0xF7A  }
0x26: {  	[smem:$0x3F9F] =	sst s1;
	(tag) =	ssettag s2;
	_ =	strace s9  }
0x27: {  	s1 =	sld [smem:$0x3FAF]  }
0x28: {  	s2 =	sld [smem:$0x3FB0]  }
0x29: {  	s4 =	sld [smem:$0x3FB2]  }
0x2a: {  	p0 =	seq.s32 s5, $0x0;
	s5 =	sld [smem:$0x3FB3]  }
0x2b: {  	s6 =	sld [smem:$0x3FB4]  }
0x2c: {  	s7 =	sld [smem:$0x3FB5]  }
0x2d: {  	s3 =	simm.s32 $0x108;
	s8 =	sld [smem:$0x3FB6]  }
0x2e: {  	s3 =	simm.s32 @!p0 $0x1082;
	s9 =	sld [smem:$0x3FB7]  }
0x2f: {  	lr =	sadd.s32 s0, s3;
	s0 =	sld [smem:$0x3FAE]  }
0x30: {  	s3 =	sld [smem:$0x3FB1]  }
0x31: {  	[smem:$0x3FBA] =	sst s10  }
0x32: {  	s10 =	sld [smem:$0x3FB8];
	_ =	sdelay $0x3  }
0x33: {  	p0 =	seq.s32 s10, $0x1;
	s10 =	sld [smem:$0x3FBA];
	_ =	sdelay $0x3  }
0x34: {  	[smem:$0x3FBA] =	sst s10  }
0x35: {  	s10 =	sld [smem:$0x3FB9];
	_ =	sdelay $0x3  }
0x36: {  	p1 =	seq.s32 s10, $0x1;
	s10 =	sld [smem:$0x3FBA];
	_ =	sdelay $0x3  }
0x37: {  	[smem:$0x3FBA] =	sst s10  }
0x38: {  	s10 =	sld [smem:$0x3FBB]  }
0x39: {  	_ = 	snop;
	(pc) =	sbr.ind lr, $3  }
0x3a: {  	_ = 	snop  }
0x3b: {  	_ = 	snop  }
0x3c: {  	p2 =	seq.s32 s10, $0x1;
	s10 =	sld [smem:$0x3FBA]  }
0x3d: {  	_ =	shalt  }
0x3e: {  	_ =	shalt  }
0x3f: {  	_ =	shalt  }
0x40: {  	_ =	shalt  }
0x41: {  	_ =	shalt  }
0x42: {  	_ =	shalt  }
0x43: {  	_ =	shalt  }
0x44: {  	_ =	shalt  }
0x45: {  	_ =	shalt  }
0x46: {  	_ =	shalt  }
0x47: {  	_ =	shalt  }
0x48: {  	_ =	shalt  }
0x49: {  	_ =	shalt  }
0x4a: {  	_ =	shalt  }
0x4b: {  	_ =	shalt  }
0x4c: {  	_ =	shalt  }
0x4d: {  	_ =	shalt  }
0x4e: {  	_ =	shalt  }
0x4f: {  	_ =	shalt  }
0x50: {  	_ =	shalt  }
0x51: {  	_ =	shalt  }
0x52: {  	_ =	shalt  }
0x53: {  	_ =	shalt  }
0x54: {  	_ =	shalt  }
0x55: {  	_ =	shalt  }
0x56: {  	_ =	shalt  }
0x57: {  	_ =	shalt  }
0x58: {  	_ =	shalt  }
0x59: {  	_ =	shalt  }
0x5a: {  	_ =	shalt  }
0x5b: {  	_ =	shalt  }
0x5c: {  	_ =	shalt  }
0x5d: {  	_ =	shalt  }
0x5e: {  	_ =	shalt  }
0x5f: {  	_ =	shalt  }
0x60: {  	_ =	shalt  }
0x61: {  	_ =	shalt  }
0x62: {  	_ =	shalt  }
0x63: {  	_ =	shalt  }
0x64: {  	_ =	shalt  }
0x65: {  	_ =	shalt  }
0x66: {  	_ =	shalt  }
0x67: {  	_ =	shalt  }
0x68: {  	_ =	shalt  }
0x69: {  	_ =	shalt  }
0x6a: {  	_ =	shalt  }
0x6b: {  	_ =	shalt  }
0x6c: {  	_ =	shalt  }
0x6d: {  	_ =	shalt  }
0x6e: {  	_ =	shalt  }
0x6f: {  	_ =	shalt  }
0x70: {  	_ =	shalt  }
0x71: {  	_ =	shalt  }
0x72: {  	_ =	shalt  }
0x73: {  	_ =	shalt  }
0x74: {  	_ =	shalt  }
0x75: {  	_ =	shalt  }
0x76: {  	_ =	shalt  }
0x77: {  	_ =	shalt  }
0x78: {  	_ =	shalt  }
0x79: {  	_ =	shalt  }
0x7a: {  	_ =	shalt  }
0x7b: {  	_ =	shalt  }
0x7c: {  	_ =	shalt  }
0x7d: {  	_ =	shalt  }
0x7e: {  	_ =	shalt  }
0x7f: {  	_ =	shalt  }
0x80: {  	_ =	shalt  }
0x81: {  	_ =	shalt  }
0x82: {  	_ =	shalt  }
0x83: {  	_ =	shalt  }
0x84: {  	_ =	shalt  }
0x85: {  	_ =	shalt  }
0x86: {  	_ =	shalt  }
0x87: {  	_ =	shalt  }
.Lfunc_end0:
.L_simem_size_0:
called_computation_lowered:
.L_overlay_start_0:
0x88: {  	s2 =	sld [smem:$0x3FD9]  }
0x89: {  	s3 =	sld [smem:$0x3FFE];
	_ =	sdelay $0x1  }
0x8a: {  	s1 =	srdreg.scid  }
0x8b: {  	s0 =	sand.u32 $0x1, s1  }
0x8c: {  	s17 =	sshll.u32 s0, $0xA;
	s2 =	sadd.s32 s3, s2  }
0x8d: {  	s2 =	sadd.s32 s2, s17  }
0x8e: {  	[smem:$0x3FC6] =	sst s2  }
0x8f: {  	_ = 	snop  }
0x90: {  	s2 =	sld [smem:$0x3FC8];
	(tm) =	ssettm $0x1  }
0x91: {  	s18 =	sld [smem:$0x3FFB];
	_ =	sdelay $0x3  }
0x92: {  	_ =	strace s18  }
0x93: {  	s3 =	sld [smem:$0x3FFC];
	_ =	sdelay $0x3  }
0x94: {  	_ =	strace s3  }
0x95: {  	s3 =	sld [smem:$0x3FFD];
	_ =	sdelay $0x3  }
0x96: {  	_ =	strace s3  }
0x97: {  	_ =	strace $0x8FFFFFFF  }
0x98: {  	s19 =	sld [smem:$0x3FDB];
	_ =	sdelay $0x1  }
0x99: {  	s4 =	simm.s32 $_scs_section_size  }
0x9a: {  	s5 =	simm.s32 $_size__tile_overlayer_lowered;
	s6 =	simm.s32 $_tile_overlayer_lowered  }
0x9b: {  	s22 =	simm.s32 $0x1BFF;
	s21 =	sshll.u32 s6, $0x1;
	s3 =	sadd.s32 s4, s19  }
0x9c: {  	s7 =	simm.s32 $0x0;
	s20 =	sshll.u32 s5, $0x1;
	s5 =	sadd.s32 s21, s3  }
0x9d: {  	[timem:s7], [sflag:s22] =	dma.local [hbm:s5], s20  }
0x9e: {  	_ =	swait.ge [sflag:s22], s20  }
0x9f: {  	s4 =	ssub.s32 $0x0, s20;
	[sflag:s22] =	ssyncset.done $0x0  }
0xa0: {  	[sflag:s22] =	ssyncadd.s32 s4;
	_ =	sdelay $0x1  }
0xa1: {  	s23 =	simm.s32 $0x1B8B  }
0xa2: {  	_ =	swait.ge [sflag:s23], $0x1  }
0xa3: {  	[sflag:s23] =	ssyncset.done $0x0  }
0xa4: {  	s25 =	simm.s32 $0x1B8E;
	s24 =	sld [smem:$0x3FFE];
	[sflag:s23] =	ssyncadd.s32 $0xFFFFFFFF  }
0xa5: {  	s26 =	simm.s32 $execute0_lowered;
	[smem:$0x3FD2] =	sst s25  }
0xa6: {  	s5 =	sshll.u32 s26, $0x1;
	_ =	strace $0x80000046;
	[dreg:$0x1] =	wrdreg $0xFFFFFFFF  }
0xa7: {  	s28 =	simm.s32 $_size_execute0_lowered;
	s3 =	sadd.s32 s3, s5;
	[dreg:$0x0] =	wrdreg $0x0  }
0xa8: {  	s5 =	sshll.u32 s28, $0x1;
	[dreg:$0x2] =	wrdreg s3  }
0xa9: {  	[dreg:$0x3] =	wrdreg s5  }
0xaa: {  	[dreg:$0x4] =	wrdreg $0xC0  }
0xab: {  	_ =	task [dreg:s7], $0x5FFFF  }
0xac: {  	[dreg:$0x1] =	wrdreg $0xFFFFFFFF  }
0xad: {  	[dreg:$0x0] =	wrdreg $0x60  }
0xae: {  	[dreg:$0x2] =	wrdreg s24  }
0xaf: {  	[dreg:$0x3] =	wrdreg s2  }
0xb0: {  	[dreg:$0x4] =	wrdreg $0x9  }
0xb1: {  	_ =	task.clear_ibuf [dreg:s7], $0x5FFFF;
	_ =	strace $0x90000046  }
0xb2: {  	s29 =	simm.s32 $0x9;
	_ =	strace $0x80000048  }
0xb3: {  	_ =	swait.ge [sflag:s29], $0x1  }
0xb4: {  	[sflag:s29] =	ssyncadd.s32 $0xFFFFFFFF  }
0xb5: {  	_ =	strace $0x90000048  }
0xb6: {  	_ =	sfence  }
0xb7: {  	s30 =	sld [smem:$0x0];
	_ =	sdelay $0x2  }
0xb8: {  	s31 =	sshll.u32 s1, $0xD;
	s1 =	sshrl.u32 s1, $0x2  }
0xb9: {  	s3 =	sand.u32 $0x4000, s31;
	s1 =	sadd.s32 s1, s30  }
0xba: {  	s0 =	sor.u32 s3, s0;
	s1 =	sshll.u32 s1, $0x11  }
0xbb: {  	s0 =	sor.u32 s1, s0  }
0xbc: {  	s0 =	sadd.s32 $0x8F2B, s0  }
0xbd: {  	[sflag:s0] =	ssyncadd.remote.s32 $0x1  }
0xbe: {  	_ =	sfence.sel $0xFFFF  }
0xbf: {  	[dreg:$0x0] =	wrdreg $0xFFFFFFFF;
	(pc) =	sbr.abs _section_cstart, $3  }
0xc0: {  	[dreg:$0x1] =	wrdreg $0xFFFFFFFF  }
0xc1: {  	_ =	task.clear_ibuf [dreg:s7], $0x2FFFF;
	_ =	strace $0x9FFFFFFF  }
0xc2: {  	(tm) =	ssettm $0x7FFFFFFF  }
0xc3: {  	_ =	shalt  }
tec
execute0_lowered:
.L_overlay_start_1:
0x0: {  	(tag) =	ssettag $0x1  }
0x1: {  	s4 =	rddreg [dreg:$0x0]  }
0x2: {  	s2 =	rddreg [dreg:$0x1]  }
0x3: {  	s0 =	rddreg [dreg:$0x2]  }
0x4: {  	s3 =	simm.s32 $0x0;
	s5 =	srdreg.scid;
	s1 =	stileid.u32  }
0x5: {  	s14 =	simm.s32 $0x400;
	s15 =	simm.s32 $0xC400;
	s16 =	simm.s32 $0x1  }
0x6: {  	s17 =	simm.s32 $0x2;
	s18 =	simm.s32 $0x18880;
	s19 =	simm.s32 $0x18900  }
0x7: {  	s20 =	simm.s32 $0x0;
	[smem:$0x7FF] =	sst s3;
	s5 =	sand.u32 $0x1, s5  }
0x8: {  	s6 =	sshll.u32 s1, $0x1;
	s7 =	sadd.s32 $0xC00, s4;
	s9 =	sshrl.u32 s1, $0x1  }
0x9: {  	_ =	strace $0x80000047;
	s6 =	sor.u32 s5, s6;
	s5 =	ssub.s32 $0x2, s5  }
0xa: {  	s9 =	smul.u32 $0xC3800, s9;
	s8 =	sshll.u32 s6, $0x4;
	s10 =	sshrl.u32 s5, $0x1  }
0xb: {  	s11 =	sshll.u32 s6, $0x8;
	s25 =	sshll.u32 s6, $0x1;
	s13 =	sshllo.u32 s6, $0x1  }
0xc: {  	s12 =	sadd.s32 s8, s4;
	s10 =	ssub.s32 s5, s10;
	s24 =	sand.u32 $0x300, s11  }
0xd: {  	s28 =	sadd.s32 $0x61800, s9;
	s29 =	sshll.u32 s13, $0x7;
	s11 =	simm.s32 $0x18800  }
0xe: {  	v2 =	vmov s13;
	s13 =	simm.s32 $0x80;
	s26 =	sor.u32 s9, s24;
	s5 =	sor.u32 s28, s24  }
0xf: {  	s8 =	sand.u32 $0x380, s29;
	s10 =	smax.u32 s10, $0x1;
	s4 =	sshrl.u32 s26, $0x3  }
0x10: {  	v0 =	vlaneseq.u32;
	s5 =	sshrl.u32 s5, $0x3;
	s9 =	sor.u32 s9, s8;
	s6 =	sor.u32 s28, s8  }
0x11: {  	v7 =	vimm.s32 $0xF;
	v8 =	vimm.s32 $0xFFFFFF81;
	vm0 =	vcmask $0x308;
	s8 =	sadd.s32 $0x187C00, s12;
	s4 =	sadd.s32 s7, s4;
	s5 =	sadd.s32 s7, s5  }
0x12: {  	v3 =	vor.u32 $0x10, v0;
	v4 =	vor.u32 $0x20, v0;
	v1 =	vmov s25;
	s30 =	sshrl.u32 s9, $0x3;
	s31 =	sshrl.u32 s6, $0x3;
	s9 =	sadd.s32 $0x187E00, s12  }
0x13: {  	v5 =	vor.u32 $0x30, v0;
	v6 =	vor.u32 $0x40, v0;
	v1 =	vbroadcast v1, $0x0;
	s12 =	simm.s32 $0x3;
	s6 =	sadd.s32 s7, s30;
	s7 =	sadd.s32 s7, s31  }
.LBB2_1:
0x14: {  	[tilespmem:s11], [sflag:$0x3] =	stream.linear.gather [hbm4b:s2+s3], $0x80, $0x38;
	[tilespmem:$0x18980] =	vst v63  }
0x15: {  	_ =	swait.ge [sflag:s12], $0x80  }
0x16: {  	[sflag:s12] =	ssyncset.done $0x0  }
0x17: {  	[sflag:s12] =	ssyncadd.s32 $0xFFFFFF80  }
0x18: {  	[tilespmem:s3], [sflag:$0x1] =	stream.strided.gather [hbm4b:s4+s13], $0xC300, s14, s13, $0x38;
	[tilespmem:$0x18980] =	vst v63  }
0x19: {  	_ = 	snop  }
0x1a: {  	v9 =	vld.idx.msk [tilespmem:v1+s11+$0x0], $0xffff;
	[tilespmem:s15], [sflag:$0x2] =	stream.strided.gather [hbm4b:s5+s13], $0xC400, s14, s13, $0x38  }
0x1b: {  	_ =	swait.ge [sflag:s16], $0xC300  }
0x1c: {  	[sflag:s16] =	ssyncset.done $0x0  }
0x1d: {  	s21 =	simm.s32 $0x20;
	[sflag:s16] =	ssyncadd.s32 $0xFFFF3D00  }
0x1e: {  	v10 =	vld [tilespmem:s21+$0x20]  }
0x1f: {  	v12 =	vld [tilespmem:s21+$0xFFFFFFF0]  }
0x20: {  	v13 =	vld [tilespmem:s21+$0x0]  }
0x21: {  	vm1 =	vgt.s32 v9, $0x0;
	v14 =	vld [tilespmem:s21+$0x10]  }
0x22: {  	v16 =	vimm.s32 $0x0;
	v18 =	vimm.f32 $-Inf;
	v17 =	vld [tilespmem:s21+$0xFFFFFFE0];
	v11 =	vnsel vm1, $0x0, v9  }
0x23: {  	s31 =	simm.s32 $0x70;
	v23 =	vmin.u32 v11, $0xC2FF;
	v11 =	vimm.f32 $0.0e+00;
	v15 =	vmul.f32 $1.442695020e+00, v10  }
0x24: {  	v26 =	vld [tilespmem:s31+$0x10];
	vm1 =	vgt.f32 v10, v18;
	v19 =	vmul.f32 $1.442695020e+00, v12;
	v10 =	vmax.f32 v18, v10  }
0x25: {  	v29 =	vld [tilespmem:s31+$0xFFFFFFE0];
	vm2 =	vgt.f32 v12, v18;
	v20 =	vmul.f32 $1.442695020e+00, v13;
	(erf) = vpow2.f32 v15  }
0x26: {  	v22 =	vmax.f32 v18, v12;
	v12 =	vmul.f32 $1.442695020e+00, v14;
	(erf) = vpow2.f32 v19  }
0x27: {  	v28 =	vld [tilespmem:s31+$0xFFFFFFF0];
	v27 =	vmax.f32 v18, v17;
	v19 =	vmul.f32 $1.442695020e+00, v17;
	(erf) = vpow2.f32 v20  }
0x28: {  	vm3 =	vgt.f32 v17, v18;
	v24 =	vmax.f32 v18, v14;
	v20 =	vld [tilespmem:s31+$0x20];
	(erf) = vpow2.f32 v12  }
0x29: {  	vm4 =	vgt.f32 v13, v18;
	vm5 =	vgt.f32 v14, v18;
	(erf) = vpow2.f32 v19  }
0x2a: {  	v25 =	vld [tilespmem:s31+$0x0];
	v32 =	vmul.f32 $1.442695020e+00, v26;
	v35 =	vmul.f32 $1.442695020e+00, v29;
	v14 =	vsel vm5, s3, v16  }
0x2b: {  	v15 =	vmax.f32 v18, v13;
	v18 =	vsel vm2, s3, v16;
	v13 =	vsel vm4, s3, v16  }
0x2c: {  	vm2 =	vgt.f32 v28, v22;
	v17 =	vsel vm3, s3, v16;
	v12 =	vsel vm1, s3, v16  }
0x2d: {  	vm1 =	vgt.f32 v20, v10;
	v21 =	vmax.f32 v10, v20;
	v10 =	vmul.f32 $1.442695020e+00, v20  }
0x2e: {  	vm3 =	vgt.f32 v29, v27;
	v19 =	vmax.f32 v22, v28;
	v22 =	vmul.f32 $1.442695020e+00, v28;
	v16 =	vpop (erf)  }
0x2f: {  	v28 =	vmul.f32 $1.442695020e+00, v25;
	(erf) = vpow2.f32 v10;
	v10 =	vld.idx.msk [tilespmem:v23+s3+$0x0], $0xffff;
	v23 =	vmax.f32 v24, v26;
	v30 =	vpop (erf)  }
0x30: {  	v20 =	vadd.f32 v16, v11;
	v16 =	vmax.f32 v15, v25;
	(erf) = vpow2.f32 v22;
	v31 =	vpop (erf)  }
0x31: {  	s23 =	simm.s32 $0xC0;
	v22 =	vmax.f32 v27, v29;
	v29 =	vimm.f32 $0.0e+00;
	(erf) = vpow2.f32 v28;
	v33 =	vpop (erf)  }
0x32: {  	s22 =	simm.s32 $0x1;
	s24 =	simm.s32 $0x3;
	s21 =	simm.s32 $0x2;
	v27 =	vimm.f32 $0.0e+00;
	v28 =	vimm.f32 $0.0e+00;
	(erf) = vpow2.f32 v32;
	v32 =	vld [tilespmem:s23+$0x20];
	v34 =	vpop (erf)  }
.LBB2_2:
0x33: {  	p0 =	sne.s32 s24, $0x26F;
	v36 =	vld [tilespmem:s23+$0xFFFFFFF0];
	vm4 =	vgt.f32 v25, v15;
	vm5 =	vgt.f32 v26, v24;
	(erf) = vpow2.f32 v35;
	v15 =	vmovc v16;
	v37 =	vmovc v22  }
0x34: {  	v17 =	vsel vm3, s22, v17;
	v11 =	vadd.f32 v34, v11;
	v28 =	vadd.f32 v30, v28;
	v24 =	vmovc v23;
	v25 =	vld [tilespmem:s23+$0x0]  }
0x35: {  	v18 =	vsel vm2, s22, v18;
	v29 =	vadd.f32 v31, v29;
	v27 =	vadd.f32 v33, v27;
	v26 =	vld [tilespmem:s23+$0x10]  }
0x36: {  	v12 =	vsel vm1, s22, v12;
	v13 =	vsel vm4, s22, v13;
	v14 =	vsel vm5, s22, v14;
	s22 =	smov.u32 s21;
	s21 =	smov.u32 s24;
	v34 =	vld [tilespmem:s23+$0xFFFFFFE0]  }
0x37: {  	vm1 =	vgt.f32 v32, v21;
	v21 =	vmax.f32 v21, v32;
	v35 =	vmul.f32 $1.442695020e+00, v32  }
.Ltmp0:
0x38: {  	vm2 =	vgt.f32 v36, v19;
	v19 =	vmax.f32 v19, v36;
	v38 =	vmul.f32 $1.442695020e+00, v36;
	v32 =	vpop (erf);
	(pc) =	sbr.rel @p0 .LBB2_2-.Ltmp0, $4  }
0x39: {  	v39 =	vmul.f32 $1.442695020e+00, v25;
	(erf) = vpow2.f32 v35;
	v20 =	vadd.f32 v32, v20;
	v30 =	vpop (erf)  }
0x3a: {  	v16 =	vmax.f32 v16, v25;
	v36 =	vmul.f32 $1.442695020e+00, v26;
	(erf) = vpow2.f32 v38;
	v31 =	vpop (erf)  }
0x3b: {  	s23 =	sadd.s32 $0x50, s23;
	v22 =	vmax.f32 v22, v34;
	v35 =	vmul.f32 $1.442695020e+00, v34;
	(erf) = vpow2.f32 v39;
	v33 =	vpop (erf)  }
0x3c: {  	s24 =	sadd.s32 $0x1, s24;
	v23 =	vmax.f32 v23, v26;
	vm3 =	vgt.f32 v34, v37;
	v32 =	vld [tilespmem:s23+$0x20];
	(erf) = vpow2.f32 v36;
	v34 =	vpop (erf)  }
0x3d: {  	v36 =	vld [tilespmem:s23+$0xFFFFFFF0]  }
0x3e: {  	v37 =	vld [tilespmem:s23+$0x0]  }
0x3f: {  	v38 =	vld [tilespmem:s23+$0x10]  }
0x40: {  	v39 =	vld [tilespmem:s23+$0xFFFFFFE0]  }
0x41: {  	v40 =	vmul.f32 $1.442695020e+00, v32  }
0x42: {  	(erf) = vpow2.f32 v35;
	v48 =	vmul.f32 $1.442695020e+00, v36  }
0x43: {  	v41 =	vmul.f32 $1.442695020e+00, v37;
	(erf) = vpow2.f32 v40  }
0x44: {  	v49 =	vmul.f32 $1.442695020e+00, v38;
	(erf) = vpow2.f32 v48  }
0x45: {  	v50 =	vmul.f32 $1.442695020e+00, v39;
	(erf) = vpow2.f32 v41  }
0x46: {  	(erf) = vpow2.f32 v49  }
0x47: {  	v51 =	vpop (erf);
	(erf) = vpow2.f32 v50  }
0x48: {  	v52 =	vpop (erf)  }
0x49: {  	v53 =	vpop (erf)  }
0x4a: {  	v42 =	vpop (erf)  }
0x4b: {  	v43 =	vpop (erf)  }
0x4c: {  	v44 =	vpop (erf)  }
0x4d: {  	vm4 =	vgt.f32 v25, v15;
	v11 =	vadd.f32 v34, v11;
	v15 =	vpop (erf)  }
0x4e: {  	vm5 =	vgt.f32 v26, v24;
	v24 =	vadd.f32 v30, v28;
	v25 =	vadd.f32 v31, v29;
	v26 =	vpop (erf)  }
0x4f: {  	v17 =	vsel vm3, s22, v17;
	v18 =	vsel vm2, s22, v18;
	v27 =	vadd.f32 v33, v27;
	v28 =	vpop (erf)  }
0x50: {  	[tilespmem:s3], [sflag:$0x1] =	stream.strided.gather [hbm4b:s6+s13], $0xC300, s14, s13, $0x38;
	v12 =	vsel vm1, s22, v12;
	v13 =	vsel vm4, s22, v13;
	v14 =	vsel vm5, s22, v14;
	v29 =	vpop (erf);
	[tilespmem:$0x18980] =	vst v63  }
0x51: {  	vm2 =	vgt.f32 v32, v21;
	v21 =	vmax.f32 v21, v32;
	vm3 =	vgt.f32 v36, v19;
	_ =	swait.ge [sflag:s17], $0xC400  }
0x52: {  	v19 =	vmax.f32 v19, v36;
	v30 =	vmax.f32 v22, v39;
	vm1 =	vgt.f32 v39, v22;
	[sflag:s17] =	ssyncset.done $0x0  }
0x53: {  	s29 =	simm.s32 $0xC420;
	v22 =	vmax.f32 v16, v37;
	vm4 =	vgt.f32 v37, v16;
	v31 =	vmax.f32 v23, v38;
	[sflag:s17] =	ssyncadd.s32 $0xFFFF3C00  }
0x54: {  	vm5 =	vgt.f32 v38, v23;
	v12 =	vsel vm2, s21, v12;
	v20 =	vadd.f32 v51, v20;
	v23 =	vld [tilespmem:s29+$0x20]  }
0x55: {  	v17 =	vsel vm1, s21, v17;
	v18 =	vsel vm3, s21, v18;
	v16 =	vadd.f32 v52, v24;
	v24 =	vld [tilespmem:s29+$0xFFFFFFF0]  }
0x56: {  	v54 =	vsel vm4, s21, v13;
	v25 =	vadd.f32 v53, v25;
	v11 =	vadd.f32 v43, v11;
	v55 =	vld [tilespmem:s29+$0x0]  }
0x57: {  	v56 =	vsel vm5, s21, v14;
	v27 =	vadd.f32 v42, v27;
	v57 =	vadd.f32 v44, v20;
	v20 =	vld [tilespmem:s29+$0x10]  }
0x58: {  	v13 =	vadd.f32 v15, v16;
	v14 =	vadd.f32 v29, v11;
	v11 =	vadd.s32 $0xFFFF3D00, v9;
	v29 =	vld [tilespmem:s29+$0xFFFFFFE0]  }
0x59: {  	v15 =	vadd.f32 v26, v25;
	vm1 =	vgt.s32 v11, $0x0;
	v25 =	vmul.f32 $1.442695020e+00, v23  }
0x5a: {  	s30 =	simm.s32 $0xC470;
	v16 =	vadd.f32 v28, v27;
	v26 =	vnsel vm1, $0x0, v11;
	v27 =	vmul.f32 $1.442695020e+00, v24  }
0x5b: {  	v26 =	vmin.u32 v26, $0xC39F;
	v58 =	vld [tilespmem:s30+$0x20];
	v28 =	vmul.f32 $1.442695020e+00, v55;
	(erf) = vpow2.f32 v25  }
0x5c: {  	v61 =	vld [tilespmem:s30+$0xFFFFFFE0];
	vm1 =	vgt.f32 v23, v21;
	v25 =	vmul.f32 $1.442695020e+00, v20;
	(erf) = vpow2.f32 v27  }
0x5d: {  	v60 =	vld [tilespmem:s30+$0xFFFFFFF0];
	v21 =	vmax.f32 v21, v23;
	v23 =	vmul.f32 $1.442695020e+00, v29;
	(erf) = vpow2.f32 v28  }
0x5e: {  	vm2 =	vgt.f32 v24, v19;
	v19 =	vmax.f32 v19, v24;
	(erf) = vpow2.f32 v25  }
0x5f: {  	v59 =	vmax.f32 v30, v29;
	vm3 =	vgt.f32 v29, v30;
	(erf) = vpow2.f32 v23  }
0x60: {  	s31 =	simm.s32 $0x270;
	v29 =	vmax.f32 v31, v20;
	vm4 =	vgt.f32 v55, v22;
	v30 =	vld [tilespmem:s30+$0x0];
	vm5 =	vgt.f32 v20, v31  }
0x61: {  	v31 =	vld [tilespmem:s30+$0x10];
	v36 =	vmul.f32 $1.442695020e+00, v61;
	v24 =	vsel vm4, s31, v54;
	v20 =	vmax.f32 v21, v58  }
0x62: {  	v27 =	vsel vm2, s31, v18;
	vm2 =	vgt.f32 v60, v19;
	v18 =	vmax.f32 v19, v60  }
0x63: {  	v19 =	vmul.f32 $1.442695020e+00, v60;
	v23 =	vsel vm1, s31, v12;
	v12 =	vmul.f32 $1.442695020e+00, v58  }
0x64: {  	v28 =	vsel vm3, s31, v17;
	vm3 =	vgt.f32 v61, v59;
	v25 =	vmax.f32 v22, v55;
	v17 =	vpop (erf)  }
0x65: {  	v22 =	vsel vm5, s31, v56;
	v62 =	vmul.f32 $1.442695020e+00, v30;
	(erf) = vpow2.f32 v12;
	v33 =	vpop (erf)  }
0x66: {  	v63 =	vmul.f32 $1.442695020e+00, v31;
	vm1 =	vgt.f32 v58, v21;
	(erf) = vpow2.f32 v19;
	v34 =	vpop (erf)  }
0x67: {  	s23 =	simm.s32 $0xC4C0;
	v12 =	vld.idx.msk [tilespmem:v26+s15+$0x0], $0xffff;
	v26 =	vmax.f32 v29, v31;
	v21 =	vadd.f32 v17, v57;
	(erf) = vpow2.f32 v62;
	v35 =	vpop (erf)  }
0x68: {  	s24 =	simm.s32 $0x273;
	s22 =	simm.s32 $0x271;
	s21 =	simm.s32 $0x272;
	v32 =	vld [tilespmem:s23+$0x20];
	v17 =	vmax.f32 v25, v30;
	v19 =	vmax.f32 v59, v61;
	(erf) = vpow2.f32 v63;
	v37 =	vpop (erf)  }
.LBB2_4:
0x69: {  	p0 =	sne.s32 s24, $0x4E1;
	v38 =	vld [tilespmem:s23+$0xFFFFFFF0];
	vm4 =	vgt.f32 v30, v25;
	vm5 =	vgt.f32 v31, v29;
	(erf) = vpow2.f32 v36;
	v25 =	vmovc v17;
	v39 =	vmovc v19  }
0x6a: {  	v28 =	vsel vm3, s22, v28;
	v14 =	vadd.f32 v37, v14;
	v13 =	vadd.f32 v33, v13;
	v29 =	vmovc v26;
	v30 =	vld [tilespmem:s23+$0x0]  }
0x6b: {  	v27 =	vsel vm2, s22, v27;
	v15 =	vadd.f32 v34, v15;
	v16 =	vadd.f32 v35, v16;
	v31 =	vld [tilespmem:s23+$0x10]  }
0x6c: {  	v23 =	vsel vm1, s22, v23;
	v24 =	vsel vm4, s22, v24;
	v22 =	vsel vm5, s22, v22;
	s22 =	smov.u32 s21;
	s21 =	smov.u32 s24;
	v37 =	vld [tilespmem:s23+$0xFFFFFFE0]  }
0x6d: {  	vm1 =	vgt.f32 v32, v20;
	v20 =	vmax.f32 v20, v32;
	v32 =	vmul.f32 $1.442695020e+00, v32  }
.Ltmp1:
0x6e: {  	vm2 =	vgt.f32 v38, v18;
	v18 =	vmax.f32 v18, v38;
	v36 =	vmul.f32 $1.442695020e+00, v38;
	v33 =	vpop (erf);
	(pc) =	sbr.rel @p0 .LBB2_4-.Ltmp1, $4  }
0x6f: {  	v40 =	vmul.f32 $1.442695020e+00, v30;
	(erf) = vpow2.f32 v32;
	v21 =	vadd.f32 v33, v21;
	v33 =	vpop (erf)  }
0x70: {  	v17 =	vmax.f32 v17, v30;
	v38 =	vmul.f32 $1.442695020e+00, v31;
	(erf) = vpow2.f32 v36;
	v34 =	vpop (erf)  }
0x71: {  	s23 =	sadd.s32 $0x50, s23;
	v19 =	vmax.f32 v19, v37;
	v36 =	vmul.f32 $1.442695020e+00, v37;
	(erf) = vpow2.f32 v40;
	v35 =	vpop (erf)  }
0x72: {  	s24 =	sadd.s32 $0x1, s24;
	v26 =	vmax.f32 v26, v31;
	vm3 =	vgt.f32 v37, v39;
	v32 =	vld [tilespmem:s23+$0x20];
	(erf) = vpow2.f32 v38;
	v37 =	vpop (erf)  }
0x73: {  	v38 =	vld [tilespmem:s23+$0xFFFFFFF0]  }
0x74: {  	vm4 =	vgt.f32 v30, v25;
	v25 =	vld [tilespmem:s23+$0x0]  }
0x75: {  	vm5 =	vgt.f32 v31, v29;
	(erf) = vpow2.f32 v36;
	v29 =	vld [tilespmem:s23+$0x10]  }
0x76: {  	v28 =	vsel vm3, s22, v28;
	v14 =	vadd.f32 v37, v14;
	v13 =	vadd.f32 v33, v13;
	v30 =	vld [tilespmem:s23+$0xFFFFFFE0]  }
0x77: {  	v27 =	vsel vm2, s22, v27;
	v15 =	vadd.f32 v34, v15;
	v31 =	vmul.f32 $1.442695020e+00, v32  }
0x78: {  	v16 =	vadd.f32 v35, v16;
	v23 =	vsel vm1, s22, v23;
	v52 =	vmul.f32 $1.442695020e+00, v38  }
0x79: {  	v24 =	vsel vm4, s22, v24;
	v53 =	vmul.f32 $1.442695020e+00, v25;
	(erf) = vpow2.f32 v31  }
0x7a: {  	v22 =	vsel vm5, s22, v22;
	v31 =	vmul.f32 $1.442695020e+00, v29;
	(erf) = vpow2.f32 v52  }
0x7b: {  	vm1 =	vgt.f32 v32, v20;
	v54 =	vpop (erf);
	v55 =	vmul.f32 $1.442695020e+00, v30;
	(erf) = vpow2.f32 v53  }
0x7c: {  	v20 =	vmax.f32 v20, v32;
	vm2 =	vgt.f32 v38, v18;
	v56 =	vpop (erf);
	(erf) = vpow2.f32 v31  }
0x7d: {  	v18 =	vmax.f32 v18, v38;
	v58 =	vmax.f32 v19, v30;
	v57 =	vpop (erf);
	(erf) = vpow2.f32 v55  }
0x7e: {  	vm3 =	vgt.f32 v30, v19;
	v19 =	vmax.f32 v26, v29;
	vm4 =	vgt.f32 v25, v17  }
0x7f: {  	vm5 =	vgt.f32 v29, v26;
	v23 =	vsel vm1, s21, v23;
	v21 =	vadd.f32 v54, v21;
	v59 =	vpop (erf)  }
0x80: {  	v26 =	vmax.f32 v58, v18;
	v22 =	vsel vm5, s21, v22;
	v31 =	vmax.f32 v17, v25;
	v17 =	vpop (erf)  }
0x81: {  	v14 =	vadd.f32 v17, v14;
	v17 =	vsel vm2, s21, v27;
	v26 =	vmax.f32 v26, v31  }
0x82: {  	v25 =	vsel vm3, s21, v28;
	v26 =	vmax.f32 v26, v19;
	v17 =	vmul.u32 $0x50, v17;
	v27 =	vpop (erf)  }
0x83: {  	v13 =	vadd.f32 v56, v13;
	v25 =	vmul.u32 $0x50, v25;
	v26 =	vmax.f32 v26, v20;
	v28 =	vpop (erf)  }
0x84: {  	v17 =	vadd.s32 v3, v17;
	vm2 =	veq.f32 v18, v26;
	v18 =	vsel vm4, s21, v24;
	v24 =	vpop (erf)  }
0x85: {  	v22 =	vmul.u32 $0x50, v22;
	v25 =	vor.u32 v0, v25;
	(xrf0) =	vmax.scan.msk.f32 $0xffff, v26;
	v17 =	vnsel vm2, $0x7FFFFFFF, v17;
	v29 =	vpop (erf)  }
0x86: {  	v15 =	vadd.f32 v57, v15;
	v18 =	vmul.u32 $0x50, v18;
	vm2 =	vlt.s32 v25, v17;
	v30 =	vpop (erf)  }
0x87: {  	vm1 =	veq.f32 v58, v26;
	v25 =	vsel vm2, v25, v17;
	v14 =	vadd.f32 v30, v14  }
0x88: {  	v18 =	vadd.s32 v4, v18;
	v17 =	vsel vm1, v25, v17;
	v13 =	vadd.f32 v28, v13  }
0x89: {  	v16 =	vadd.f32 v59, v16;
	vm2 =	veq.f32 v31, v26;
	vm1 =	vlt.s32 v17, v18  }
0x8a: {  	v15 =	vadd.f32 v24, v15;
	v18 =	vsel vm1, v17, v18;
	v13 =	vadd.f32 v13, v14  }
0x8b: {  	v16 =	vadd.f32 v29, v16;
	v17 =	vsel vm2, v18, v17;
	v18 =	vadd.s32 v5, v22;
	v14, _, _ =	vpop (xrf0)  }
0x8c: {  	v22 =	vmul.u32 $0x50, v23;
	vm1 =	vlt.s32 v17, v18;
	v13 =	vadd.f32 v15, v13;
	[tilespmem:$0x18880] =	vst v14  }
0x8d: {  	vm2 =	veq.f32 v19, v26;
	v14 =	vsel vm1, v17, v18;
	v18 =	vadd.f32 v27, v21;
	v15 =	vld.idx.msk [tilespmem:v7+s18+$0x0], $0xffff  }
0x8e: {  	v14 =	vsel vm2, v14, v17;
	v17 =	vadd.s32 v6, v22;
	v13 =	vadd.f32 v16, v13  }
0x8f: {  	vm1 =	vlt.s32 v14, v17  }
0x90: {  	vm2 =	veq.f32 v20, v26;
	v16 =	vsel vm1, v14, v17;
	v13 =	vadd.f32 v18, v13  }
0x91: {  	v14 =	vsel vm2, v16, v14  }
0x92: {  	v14 =	vsub.s32 $0x80000000, v14;
	(xrf2) =	vadd.scan.msk.f32 $0xffff, v13;
	vm1 =	veq.f32 v26, v15  }
0x93: {  	v14 =	vnsel vm1, $0x1, v14  }
0x94: {  	(xrf0) =	vmax.scan.msk.u32 $0xffff, v14;
	_ =	sdelay $0x5  }
0x95: {  	v13, _, _ =	vpop (xrf0)  }
0x96: {  	v13 =	vxor.u32 $0x80000000, v13  }
0x97: {  	v14, _, _ =	vpop (xrf2);
	[tilespmem:$0x18900] =	vst v13  }
0x98: {  	v13 =	vld.idx.msk [tilespmem:v7+s19+$0x0], $0xffff;
	[tilespmem:$0x18880] =	vst v14  }
0x99: {  	v15 =	vld.idx.msk [tilespmem:v7+s18+$0x0], $0xffff  }
0x9a: {  	v14 =	vld.idx.msk [tilespmem:v2+s11+$0x0], $0xffff;
	[tilespmem:s15], [sflag:$0x2] =	stream.strided.gather [hbm4b:s7+s13], $0xC400, s14, s13, $0x38  }
0x9b: {  	_ =	swait.ge [sflag:s16], $0xC300  }
0x9c: {  	[sflag:s16] =	ssyncset.done $0x0  }
0x9d: {  	s29 =	simm.s32 $0x20;
	[sflag:s16] =	ssyncadd.s32 $0xFFFF3D00  }
0x9e: {  	v16 =	vld [tilespmem:s29+$0x20]  }
0x9f: {  	v18 =	vld [tilespmem:s29+$0xFFFFFFF0]  }
0xa0: {  	v19 =	vld [tilespmem:s29+$0x0]  }
0xa1: {  	v34 =	vimm.f32 $0.0e+00;
	v20 =	vld [tilespmem:s29+$0x10]  }
0xa2: {  	v35 =	vimm.f32 $0.0e+00;
	v33 =	vimm.f32 $0.0e+00;
	v23 =	vld [tilespmem:s29+$0xFFFFFFE0];
	vm1 =	vgt.s32 v14, $0x0  }
0xa3: {  	v24 =	vimm.f32 $-Inf;
	v17 =	vnsel vm1, $0x0, v14;
	v21 =	vmul.f32 $1.442695020e+00, v16  }
0xa4: {  	s30 =	simm.s32 $0x70;
	v22 =	vimm.s32 $0x0;
	v29 =	vmin.u32 v17, $0xC2FF;
	v25 =	vmul.f32 $1.442695020e+00, v18  }
0xa5: {  	v31 =	vld [tilespmem:s30+$0x0];
	vm2 =	vgt.f32 v18, v24;
	v26 =	vmul.f32 $1.442695020e+00, v19;
	(erf) = vpow2.f32 v21  }
0xa6: {  	v27 =	vmax.f32 v24, v18;
	v18 =	vmul.f32 $1.442695020e+00, v20;
	(erf) = vpow2.f32 v25  }
0xa7: {  	v28 =	vld [tilespmem:s30+$0xFFFFFFF0];
	vm1 =	vgt.f32 v16, v24;
	v25 =	vmul.f32 $1.442695020e+00, v23;
	(erf) = vpow2.f32 v26  }
0xa8: {  	v16 =	vmax.f32 v24, v16;
	v60 =	vmax.f32 v24, v23;
	v26 =	vld [tilespmem:s30+$0x20];
	(erf) = vpow2.f32 v18  }
0xa9: {  	vm3 =	vgt.f32 v23, v24;
	v30 =	vmax.f32 v24, v20;
	(erf) = vpow2.f32 v25  }
0xaa: {  	s31 =	simm.s32 $0x0;
	v32 =	vld [tilespmem:s30+$0x10];
	vm4 =	vgt.f32 v19, v24;
	vm5 =	vgt.f32 v20, v24;
	v62 =	vmul.f32 $1.442695020e+00, v31  }
0xab: {  	v61 =	vld [tilespmem:s30+$0xFFFFFFE0];
	v20 =	vsel vm5, s31, v22;
	v21 =	vmax.f32 v24, v19;
	v24 =	vsel vm2, s31, v22  }
0xac: {  	v19 =	vsel vm4, s31, v22;
	vm2 =	vgt.f32 v28, v27;
	v18 =	vsel vm1, s31, v22  }
0xad: {  	vm1 =	vgt.f32 v26, v16;
	v25 =	vmax.f32 v16, v26;
	v16 =	vmul.f32 $1.442695020e+00, v26  }
0xae: {  	v23 =	vsel vm3, s31, v22;
	v26 =	vmax.f32 v27, v28;
	v28 =	vmul.f32 $1.442695020e+00, v28;
	v22 =	vpop (erf)  }
0xaf: {  	v17 =	vimm.f32 $0.0e+00;
	v63 =	vmul.f32 $1.442695020e+00, v32;
	(erf) = vpow2.f32 v16;
	v36 =	vpop (erf)  }
0xb0: {  	v41 =	vmul.f32 $1.442695020e+00, v61;
	vm3 =	vgt.f32 v61, v60;
	(erf) = vpow2.f32 v28;
	v37 =	vpop (erf)  }
0xb1: {  	s23 =	simm.s32 $0xC0;
	v16 =	vld.idx.msk [tilespmem:v29+s31+$0x0], $0xffff;
	v29 =	vmax.f32 v30, v32;
	v27 =	vadd.f32 v22, v17;
	(erf) = vpow2.f32 v62;
	v39 =	vpop (erf)  }
0xb2: {  	s24 =	simm.s32 $0x3;
	s22 =	simm.s32 $0x1;
	s21 =	simm.s32 $0x2;
	v38 =	vld [tilespmem:s23+$0x20];
	v22 =	vmax.f32 v21, v31;
	v28 =	vmax.f32 v60, v61;
	(erf) = vpow2.f32 v63;
	v40 =	vpop (erf)  }
.LBB2_6:
0xb3: {  	p0 =	sne.s32 s24, $0x26F;
	v42 =	vld [tilespmem:s23+$0xFFFFFFF0];
	vm4 =	vgt.f32 v31, v21;
	vm5 =	vgt.f32 v32, v30;
	(erf) = vpow2.f32 v41;
	v21 =	vmovc v22;
	v43 =	vmovc v28  }
0xb4: {  	v23 =	vsel vm3, s22, v23;
	v17 =	vadd.f32 v40, v17;
	v34 =	vadd.f32 v36, v34;
	v30 =	vmovc v29;
	v31 =	vld [tilespmem:s23+$0x0]  }
0xb5: {  	v24 =	vsel vm2, s22, v24;
	v35 =	vadd.f32 v37, v35;
	v33 =	vadd.f32 v39, v33;
	v32 =	vld [tilespmem:s23+$0x10]  }
0xb6: {  	v18 =	vsel vm1, s22, v18;
	v19 =	vsel vm4, s22, v19;
	v20 =	vsel vm5, s22, v20;
	s22 =	smov.u32 s21;
	s21 =	smov.u32 s24;
	v40 =	vld [tilespmem:s23+$0xFFFFFFE0]  }
0xb7: {  	vm1 =	vgt.f32 v38, v25;
	v25 =	vmax.f32 v25, v38;
	v41 =	vmul.f32 $1.442695020e+00, v38  }
.Ltmp2:
0xb8: {  	vm2 =	vgt.f32 v42, v26;
	v26 =	vmax.f32 v26, v42;
	v44 =	vmul.f32 $1.442695020e+00, v42;
	v38 =	vpop (erf);
	(pc) =	sbr.rel @p0 .LBB2_6-.Ltmp2, $4  }
0xb9: {  	v45 =	vmul.f32 $1.442695020e+00, v31;
	(erf) = vpow2.f32 v41;
	v27 =	vadd.f32 v38, v27;
	v36 =	vpop (erf)  }
0xba: {  	v22 =	vmax.f32 v22, v31;
	v42 =	vmul.f32 $1.442695020e+00, v32;
	(erf) = vpow2.f32 v44;
	v37 =	vpop (erf)  }
0xbb: {  	s23 =	sadd.s32 $0x50, s23;
	v28 =	vmax.f32 v28, v40;
	v41 =	vmul.f32 $1.442695020e+00, v40;
	(erf) = vpow2.f32 v45;
	v39 =	vpop (erf)  }
0xbc: {  	s24 =	sadd.s32 $0x1, s24;
	v29 =	vmax.f32 v29, v32;
	vm3 =	vgt.f32 v40, v43;
	v38 =	vld [tilespmem:s23+$0x20];
	(erf) = vpow2.f32 v42;
	v40 =	vpop (erf)  }
0xbd: {  	v42 =	vld [tilespmem:s23+$0xFFFFFFF0]  }
0xbe: {  	v43 =	vld [tilespmem:s23+$0x0]  }
0xbf: {  	v44 =	vld [tilespmem:s23+$0x10]  }
0xc0: {  	v45 =	vld [tilespmem:s23+$0xFFFFFFE0]  }
0xc1: {  	v46 =	vmul.f32 $1.442695020e+00, v38  }
0xc2: {  	(erf) = vpow2.f32 v41;
	v53 =	vmul.f32 $1.442695020e+00, v42  }
0xc3: {  	v47 =	vmul.f32 $1.442695020e+00, v43;
	(erf) = vpow2.f32 v46  }
0xc4: {  	v54 =	vmul.f32 $1.442695020e+00, v44;
	(erf) = vpow2.f32 v53  }
0xc5: {  	v55 =	vmul.f32 $1.442695020e+00, v45;
	(erf) = vpow2.f32 v47  }
0xc6: {  	(erf) = vpow2.f32 v54  }
0xc7: {  	v56 =	vpop (erf);
	(erf) = vpow2.f32 v55  }
0xc8: {  	v57 =	vpop (erf)  }
0xc9: {  	v58 =	vpop (erf)  }
0xca: {  	v48 =	vpop (erf)  }
0xcb: {  	v49 =	vpop (erf)  }
0xcc: {  	v50 =	vpop (erf)  }
0xcd: {  	vm4 =	vgt.f32 v31, v21;
	v17 =	vadd.f32 v40, v17;
	v21 =	vpop (erf)  }
0xce: {  	vm5 =	vgt.f32 v32, v30;
	v30 =	vadd.f32 v36, v34;
	v31 =	vadd.f32 v37, v35;
	v59 =	vpop (erf)  }
0xcf: {  	v23 =	vsel vm3, s22, v23;
	v24 =	vsel vm2, s22, v24;
	v33 =	vadd.f32 v39, v33;
	v60 =	vpop (erf)  }
0xd0: {  	v18 =	vsel vm1, s22, v18;
	v19 =	vsel vm4, s22, v19;
	v20 =	vsel vm5, s22, v20;
	v61 =	vpop (erf)  }
0xd1: {  	vm2 =	vgt.f32 v38, v25;
	v25 =	vmax.f32 v25, v38;
	vm3 =	vgt.f32 v42, v26;
	_ =	swait.ge [sflag:s17], $0xC400  }
0xd2: {  	v26 =	vmax.f32 v26, v42;
	v62 =	vmax.f32 v28, v45;
	vm1 =	vgt.f32 v45, v28;
	[sflag:s17] =	ssyncset.done $0x0  }
0xd3: {  	s29 =	simm.s32 $0xC420;
	v28 =	vmax.f32 v22, v43;
	vm4 =	vgt.f32 v43, v22;
	v63 =	vmax.f32 v29, v44;
	[sflag:s17] =	ssyncadd.s32 $0xFFFF3C00  }
0xd4: {  	vm5 =	vgt.f32 v44, v29;
	v18 =	vsel vm2, s21, v18;
	v27 =	vadd.f32 v56, v27;
	v29 =	vld [tilespmem:s29+$0x20]  }
0xd5: {  	v23 =	vsel vm1, s21, v23;
	v24 =	vsel vm3, s21, v24;
	v22 =	vadd.f32 v57, v30;
	v30 =	vld [tilespmem:s29+$0xFFFFFFF0]  }
0xd6: {  	v52 =	vsel vm5, s21, v20;
	v31 =	vadd.f32 v58, v31;
	v17 =	vadd.f32 v49, v17;
	v51 =	vld [tilespmem:s29+$0x0]  }
0xd7: {  	v33 =	vadd.f32 v48, v33;
	v49 =	vsel vm4, s21, v19;
	v27 =	vadd.f32 v50, v27;
	v53 =	vld [tilespmem:s29+$0x10]  }
0xd8: {  	v19 =	vadd.f32 v21, v22;
	v20 =	vadd.f32 v61, v17;
	v17 =	vadd.s32 $0xFFFF3D00, v14;
	v54 =	vld [tilespmem:s29+$0xFFFFFFE0]  }
0xd9: {  	v21 =	vadd.f32 v59, v31;
	vm1 =	vgt.s32 v17, $0x0;
	v31 =	vmul.f32 $1.442695020e+00, v29  }
0xda: {  	s30 =	simm.s32 $0xC470;
	v22 =	vadd.f32 v60, v33;
	v55 =	vnsel vm1, $0x0, v17;
	v56 =	vmul.f32 $1.442695020e+00, v30  }
0xdb: {  	v32 =	vmin.u32 v55, $0xC39F;
	v36 =	vld [tilespmem:s30+$0x0];
	v57 =	vmul.f32 $1.442695020e+00, v51;
	(erf) = vpow2.f32 v31  }
0xdc: {  	v37 =	vld [tilespmem:s30+$0x10];
	vm1 =	vgt.f32 v29, v25;
	v31 =	vmul.f32 $1.442695020e+00, v53;
	(erf) = vpow2.f32 v56  }
0xdd: {  	v58 =	vld [tilespmem:s30+$0x20];
	v25 =	vmax.f32 v25, v29;
	v29 =	vmul.f32 $1.442695020e+00, v54;
	(erf) = vpow2.f32 v57  }
0xde: {  	v60 =	vld [tilespmem:s30+$0xFFFFFFF0];
	vm2 =	vgt.f32 v30, v26;
	v42 =	vmax.f32 v26, v30;
	(erf) = vpow2.f32 v31  }
0xdf: {  	v59 =	vmax.f32 v62, v54;
	vm3 =	vgt.f32 v54, v62;
	(erf) = vpow2.f32 v29  }
0xe0: {  	s31 =	simm.s32 $0x270;
	v61 =	vld [tilespmem:s30+$0xFFFFFFE0];
	v35 =	vmax.f32 v63, v53;
	vm4 =	vgt.f32 v51, v28;
	vm5 =	vgt.f32 v53, v63  }
0xe1: {  	v62 =	vmul.f32 $1.442695020e+00, v36;
	v63 =	vmul.f32 $1.442695020e+00, v37;
	v34 =	vsel vm3, s31, v23  }
0xe2: {  	v33 =	vsel vm2, s31, v24;
	v30 =	vsel vm4, s31, v49;
	v26 =	vmax.f32 v25, v58  }
0xe3: {  	vm2 =	vgt.f32 v60, v42;
	v29 =	vsel vm1, s31, v18;
	v18 =	vmul.f32 $1.442695020e+00, v58  }
0xe4: {  	v24 =	vmax.f32 v42, v60;
	vm1 =	vgt.f32 v58, v25;
	v25 =	vmul.f32 $1.442695020e+00, v60;
	v23 =	vpop (erf)  }
0xe5: {  	v42 =	vmul.f32 $1.442695020e+00, v61;
	vm3 =	vgt.f32 v61, v59;
	(erf) = vpow2.f32 v18;
	v39 =	vpop (erf)  }
0xe6: {  	v31 =	vmax.f32 v28, v51;
	v28 =	vsel vm5, s31, v52;
	(erf) = vpow2.f32 v25;
	v40 =	vpop (erf)  }
0xe7: {  	s23 =	simm.s32 $0xC4C0;
	v18 =	vld.idx.msk [tilespmem:v32+s15+$0x0], $0xffff;
	v32 =	vmax.f32 v35, v37;
	v27 =	vadd.f32 v23, v27;
	(erf) = vpow2.f32 v62;
	v41 =	vpop (erf)  }
0xe8: {  	s24 =	simm.s32 $0x273;
	s22 =	simm.s32 $0x271;
	s21 =	simm.s32 $0x272;
	v38 =	vld [tilespmem:s23+$0x20];
	v23 =	vmax.f32 v31, v36;
	v25 =	vmax.f32 v59, v61;
	(erf) = vpow2.f32 v63;
	v43 =	vpop (erf)  }
.LBB2_8:
0xe9: {  	p0 =	sne.s32 s24, $0x4E1;
	v44 =	vld [tilespmem:s23+$0xFFFFFFF0];
	vm4 =	vgt.f32 v36, v31;
	vm5 =	vgt.f32 v37, v35;
	(erf) = vpow2.f32 v42;
	v31 =	vmovc v23;
	v45 =	vmovc v25  }
0xea: {  	v34 =	vsel vm3, s22, v34;
	v20 =	vadd.f32 v43, v20;
	v19 =	vadd.f32 v39, v19;
	v35 =	vmovc v32;
	v36 =	vld [tilespmem:s23+$0x0]  }
0xeb: {  	v33 =	vsel vm2, s22, v33;
	v21 =	vadd.f32 v40, v21;
	v22 =	vadd.f32 v41, v22;
	v37 =	vld [tilespmem:s23+$0x10]  }
0xec: {  	v29 =	vsel vm1, s22, v29;
	v30 =	vsel vm4, s22, v30;
	v28 =	vsel vm5, s22, v28;
	s22 =	smov.u32 s21;
	s21 =	smov.u32 s24;
	v43 =	vld [tilespmem:s23+$0xFFFFFFE0]  }
0xed: {  	vm1 =	vgt.f32 v38, v26;
	v26 =	vmax.f32 v26, v38;
	v38 =	vmul.f32 $1.442695020e+00, v38  }
.Ltmp3:
0xee: {  	vm2 =	vgt.f32 v44, v24;
	v24 =	vmax.f32 v24, v44;
	v42 =	vmul.f32 $1.442695020e+00, v44;
	v39 =	vpop (erf);
	(pc) =	sbr.rel @p0 .LBB2_8-.Ltmp3, $4  }
0xef: {  	v46 =	vmul.f32 $1.442695020e+00, v36;
	(erf) = vpow2.f32 v38;
	v27 =	vadd.f32 v39, v27;
	v39 =	vpop (erf)  }
0xf0: {  	v23 =	vmax.f32 v23, v36;
	v44 =	vmul.f32 $1.442695020e+00, v37;
	(erf) = vpow2.f32 v42;
	v40 =	vpop (erf)  }
0xf1: {  	s23 =	sadd.s32 $0x50, s23;
	v25 =	vmax.f32 v25, v43;
	v42 =	vmul.f32 $1.442695020e+00, v43;
	(erf) = vpow2.f32 v46;
	v41 =	vpop (erf)  }
0xf2: {  	s24 =	sadd.s32 $0x1, s24;
	v32 =	vmax.f32 v32, v37;
	vm3 =	vgt.f32 v43, v45;
	v38 =	vld [tilespmem:s23+$0x20];
	(erf) = vpow2.f32 v44;
	v43 =	vpop (erf)  }
0xf3: {  	v44 =	vld [tilespmem:s23+$0xFFFFFFF0]  }
0xf4: {  	vm4 =	vgt.f32 v36, v31;
	vm5 =	vgt.f32 v37, v35;
	v58 =	vld [tilespmem:s23+$0x0];
	(erf) = vpow2.f32 v42  }
0xf5: {  	v34 =	vsel vm3, s22, v34;
	v20 =	vadd.f32 v43, v20;
	v59 =	vld [tilespmem:s23+$0x10];
	v19 =	vadd.f32 v39, v19  }
0xf6: {  	v33 =	vsel vm2, s22, v33;
	v21 =	vadd.f32 v40, v21;
	v60 =	vld [tilespmem:s23+$0xFFFFFFE0];
	v22 =	vadd.f32 v41, v22  }
0xf7: {  	v29 =	vsel vm1, s22, v29;
	v30 =	vsel vm4, s22, v30;
	v61 =	vmul.f32 $1.442695020e+00, v38  }
0xf8: {  	v28 =	vsel vm5, s22, v28;
	vm1 =	vgt.f32 v38, v26;
	v62 =	vmul.f32 $1.442695020e+00, v44  }
0xf9: {  	v26 =	vmax.f32 v26, v38;
	v63 =	vmul.f32 $1.442695020e+00, v58;
	(erf) = vpow2.f32 v61  }
0xfa: {  	v42 =	vmul.f32 $1.442695020e+00, v59;
	vm2 =	vgt.f32 v44, v24;
	(erf) = vpow2.f32 v62  }
0xfb: {  	v43 =	vpop (erf);
	v45 =	vmul.f32 $1.442695020e+00, v60;
	v46 =	vmax.f32 v24, v44;
	(erf) = vpow2.f32 v63  }
0xfc: {  	v48 =	vmax.f32 v23, v58;
	v50 =	vmax.f32 v25, v60;
	v47 =	vpop (erf);
	(erf) = vpow2.f32 v42  }
0xfd: {  	vm3 =	vgt.f32 v60, v25;
	v52 =	vmax.f32 v32, v59;
	v49 =	vpop (erf);
	(erf) = vpow2.f32 v45  }
0xfe: {  	vm14 =	vgt.f32 v58, v23;
	vm15 =	vgt.f32 v59, v32;
	v29 =	vsel vm1, s21, v29  }
0xff: {  	v27 =	vadd.f32 v43, v27;
	v54 =	vsel vm3, s21, v34;
	v55 =	vmax.f32 v50, v46  }
0x100: {  	v56 =	vsel vm2, s21, v33;
	v59 =	vsel vm14, s21, v30;
	v32 =	vmax.f32 v55, v48;
	v51 =	vpop (erf)  }
0x101: {  	v28 =	vsel vm15, s21, v28;
	v23 =	vmul.u32 $0x50, v56;
	v32 =	vmax.f32 v32, v52;
	v53 =	vpop (erf)  }
0x102: {  	v19 =	vadd.f32 v47, v19;
	v31 =	vmul.u32 $0x50, v54;
	v32 =	vmax.f32 v32, v26;
	v57 =	vpop (erf)  }
0x103: {  	v24 =	vmul.u32 $0x50, v59;
	v23 =	vadd.s32 v3, v23;
	vm2 =	veq.f32 v46, v32;
	v58 =	vpop (erf)  }
0x104: {  	v28 =	vmul.u32 $0x50, v28;
	v31 =	vor.u32 v0, v31;
	(xrf0) =	vmax.scan.msk.f32 $0xffff, v32;
	v23 =	vnsel vm2, $0x7FFFFFFF, v23;
	v60 =	vpop (erf)  }
0x105: {  	v21 =	vadd.f32 v49, v21;
	v20 =	vadd.f32 v53, v20;
	vm2 =	vlt.s32 v31, v23;
	v61 =	vpop (erf)  }
0x106: {  	v24 =	vadd.s32 v4, v24;
	vm1 =	veq.f32 v50, v32;
	v31 =	vsel vm2, v31, v23;
	v62 =	vpop (erf)  }
0x107: {  	v23 =	vsel vm1, v31, v23;
	v19 =	vadd.f32 v58, v19;
	v20 =	vadd.f32 v62, v20  }
0x108: {  	v22 =	vadd.f32 v51, v22;
	vm2 =	veq.f32 v48, v32;
	vm1 =	vlt.s32 v23, v24  }
0x109: {  	v24 =	vsel vm1, v23, v24;
	v21 =	vadd.f32 v60, v21;
	v19 =	vadd.f32 v19, v20  }
0x10a: {  	v35 =	vmul.u32 $0x50, v29;
	v63 =	vadd.s32 v5, v28;
	v34, _, _ =	vpop (xrf0);
	v23 =	vsel vm2, v24, v23  }
0x10b: {  	[tilespmem:$0x18880] =	vst v34;
	vm1 =	vlt.s32 v23, v63;
	v22 =	vadd.f32 v61, v22;
	v19 =	vadd.f32 v21, v19  }
0x10c: {  	v38 =	vadd.s32 v6, v35;
	vm2 =	veq.f32 v52, v32;
	v37 =	vld.idx.msk [tilespmem:v7+s18+$0x0], $0xffff;
	v36 =	vsel vm1, v23, v63  }
0x10d: {  	v39 =	vadd.f32 v57, v27;
	v20 =	vsel vm2, v36, v23;
	v19 =	vadd.f32 v22, v19  }
0x10e: {  	vm1 =	vlt.s32 v20, v38  }
0x10f: {  	vm2 =	veq.f32 v26, v32;
	v40 =	vsel vm1, v20, v38;
	v19 =	vadd.f32 v39, v19  }
0x110: {  	v20 =	vsel vm2, v40, v20  }
0x111: {  	vm1 =	veq.f32 v32, v37;
	v20 =	vsub.s32 $0x80000000, v20;
	(xrf2) =	vadd.scan.msk.f32 $0xffff, v19  }
0x112: {  	v20 =	vnsel vm1, $0x1, v20  }
0x113: {  	(xrf0) =	vmax.scan.msk.u32 $0xffff, v20;
	_ =	sdelay $0x5  }
0x114: {  	v41, _, _ =	vpop (xrf0)  }
0x115: {  	v19 =	vxor.u32 $0x80000000, v41  }
0x116: {  	[tilespmem:$0x18900] =	vst v19;
	v42, _, _ =	vpop (xrf2)  }
0x117: {  	v19 =	vld.idx.msk [tilespmem:v7+s19+$0x0], $0xffff;
	[tilespmem:$0x18880] =	vst v42  }
0x118: {  	v20 =	vld.idx.msk [tilespmem:v7+s18+$0x0], $0xffff;
	_ =	sdelay $0x3  }
0x119: {  	v43 =	vand.u32 $0x7FFFFF, v15  }
0x11a: {  	v21 =	vor.u32 $0x3F800000, v43;
	v45 =	vand.u32 $0x7FFFFF, v20  }
0x11b: {  	v44 =	vmul.f32 $5.000000000e-01, v21;
	v46 =	vor.u32 $0x3F800000, v45  }
0x11c: {  	vm1 =	vgt.f32 v21, $1.414213540e+00;
	v48 =	vmul.f32 $5.000000000e-01, v46  }
0x11d: {  	v21 =	vsel vm1, v44, v21;
	vm2 =	vgt.f32 v46, $1.414213540e+00  }
0x11e: {  	v47 =	vadd.f32 $1.000000000e+00, v21;
	v22 =	vsel vm2, v48, v46  }
0x11f: {  	v49 =	vadd.f32 $1.000000000e+00, v22  }
0x120: {  	(erf) = vrcp.f32 v47  }
0x121: {  	(erf) = vrcp.f32 v49;
	_ =	sdelay $0x6  }
0x122: {  	v21 =	vadd.f32 $-1.000000000e+00, v21  }
0x123: {  	v50 =	vpop (erf);
	v22 =	vadd.f32 $-1.000000000e+00, v22  }
0x124: {  	v21 =	vmul.f32 v50, v21;
	v51 =	vpop (erf)  }
0x125: {  	v22 =	vmul.f32 v51, v22  }
0x126: {  	v23 =	vmul.f32 v21, v21  }
0x127: {  	v53 =	vmul.f32 v22, v22  }
0x128: {  	v52 =	vmul.f32 $1.111111120e-01, v23  }
0x129: {  	v54 =	vmul.f32 $1.111111120e-01, v53  }
0x12a: {  	v24 =	vadd.f32 $1.428571490e-01, v52  }
0x12b: {  	v26 =	vadd.f32 $1.428571490e-01, v54  }
0x12c: {  	v24 =	vmul.f32 v24, v23  }
0x12d: {  	v26 =	vmul.f32 v26, v53  }
0x12e: {  	v24 =	vadd.f32 $2.000000030e-01, v24  }
0x12f: {  	v26 =	vadd.f32 $2.000000030e-01, v26  }
0x130: {  	v24 =	vmul.f32 v24, v23  }
0x131: {  	v26 =	vmul.f32 v26, v53  }
0x132: {  	v55 =	vshra.s32 v15, $0x17;
	v56 =	vsel vm1, $0xFFFFFF82, v8;
	v24 =	vadd.f32 $3.333333430e-01, v24  }
0x133: {  	vm1 =	vlt.u32 v9, $0xC300;
	v9 =	vadd.s32 v55, v56;
	v26 =	vadd.f32 $3.333333430e-01, v26  }
0x134: {  	v9 =	vcvt.s32.f32 v9;
	v23 =	vmul.f32 v24, v23  }
0x135: {  	v20 =	vshra.s32 v20, $0x17;
	v58 =	vsel vm2, $0xFFFFFF82, v8;
	v59 =	vmul.f32 v26, v53  }
0x136: {  	v21 =	vadd.f32 v21, v21;
	v20 =	vadd.s32 v20, v58;
	v57 =	vadd.f32 $1.000000000e+00, v23  }
0x137: {  	v20 =	vcvt.s32.f32 v20;
	v22 =	vadd.f32 v22, v22;
	v60 =	vadd.f32 $1.000000000e+00, v59  }
0x138: {  	v10 =	vnsel vm1, $0x0, v10;
	v9 =	vmul.f32 $6.931471820e-01, v9;
	v15 =	vmul.f32 v57, v21  }
0x139: {  	vm1 =	vlt.u32 v11, $0xC3A0;
	v11 =	vmul.f32 $6.931471820e-01, v20;
	v61 =	vmul.f32 v60, v22  }
0x13a: {  	v10 =	vsel vm1, v12, v10;
	vm1 =	vlt.u32 v14, $0xC300;
	v9 =	vadd.f32 v15, v9  }
0x13b: {  	v62 =	vnsel vm1, $0x0, v16;
	vm1 =	vlt.u32 v17, $0xC3A0;
	v11 =	vadd.f32 v61, v11  }
0x13c: {  	v9 =	vsub.f32 v10, v9;
	v10 =	vsel vm1, v18, v62  }
0x13d: {  	vm1 =	vmmov $0x1;
	v10 =	vsub.f32 v10, v11  }
0x13e: {  	v9 =	vnsel vm1, $0x0, v9;
	v11 =	vsub.s32 $0x0, v13  }
0x13f: {  	v63 =	vsub.s32 $0x0, v19;
	v11 =	vnsel vm1, $0x0, v11;
	v9 =	vsel vm0, v9, v10  }
0x140: {  	v10 =	vsel vm0, v11, v63;
	[tilespmem:$0x18880] =	vst v9  }
0x141: {  	[tilespmem:$0x18900] =	vst v10  }
0x142: {  	[hbm4b:s8+s3] =	stream.linear.scatter [tilespmem:s18], [sflag:$0x3], $0x80, $0x38;
	[tilespmem:$0x18980] =	vst v63  }
0x143: {  	s20 =	sadd.s32 $0x1, s20;
	_ =	swait.ge [sflag:s12], $0x80  }
0x144: {  	p0 =	sne.s32 s20, s10;
	[sflag:s12] =	ssyncset.done $0x0  }
.Ltmp4:
0x145: {  	[sflag:s12] =	ssyncadd.s32 $0xFFFFFF80;
	(pc) =	sbr.rel @p0 .LBB2_1-.Ltmp4, $4  }
0x146: {  	[hbm4b:s9+s3] =	stream.linear.scatter [tilespmem:s19], [sflag:$0x3], $0x80, $0x38;
	[tilespmem:$0x18980] =	vst v63  }
0x147: {  	_ =	swait.ge [sflag:s12], $0x80  }
0x148: {  	[sflag:s12] =	ssyncset.done $0x0  }
0x149: {  	[sflag:s12] =	ssyncadd.s32 $0xFFFFFF80  }
0x14a: {  	_ =	sfence.sel $0x180000  }
0x14b: {  	[bflag:$0x0] =	sbarrier.arrive $0xFFFF  }
0x14c: {  	p0 =	sne.s32 s1, $0x0;
	_ =	strace $0x90000047  }
0x14d: {  	s0 =	sadd.s32 @!p0 $0x100000, s0;
	[bflag:$0x2] =	sbarrier.arrive $0xFFFF  }
0x14e: {  	[sflag:s0] =	ssyncadd.tile.s32 @!p0 $0x1;
	_ =	shalt  }
.Lfunc_end2:
_tile_overlayer_lowered:
.L_overlay_start_2:
0x14f: {  	(tag) =	ssettag $0x2  }
0x150: {  	s0 =	rddreg [dreg:$0x0];
	s2 =	stileid.u32  }
0x151: {  	s1 =	rddreg [dreg:$0x1];
	p0 =	sne.s32 s2, $0x0  }
0x152: {  	s3 =	rddreg [dreg:$0x2];
	[bflag:$0x3] =	sbarrier.arrive $0xFFFF;
	s2 =	simm.s32 @!p0 $0x1C03  }
0x153: {  	[timem:s3], [sflag:s2] =	dma.local @!p0 [hbm:s0], s1  }
0x154: {  	s0 =	simm.s32 @!p0 $0x3  }
0x155: {  	_ =	swait.ge @!p0 [sflag:s0], s1  }
0x156: {  	s1 =	ssub.s32 @!p0 $0x0, s1;
	[sflag:s0] =	ssyncset.done @!p0 $0x0  }
0x157: {  	[sflag:s0] =	ssyncadd.s32 @!p0 s1  }
0x158: {  	[bflag:$0x3] =	sbarrier.arrive $0xFFFF  }
0x159: {  	_ =	shalt  }

</sc_bundles>
